<compile_context>
chip_gen: v7x
topology: tpu7x:2x2x1
jax: 0.10.2.dev20260603
libtpu: 0.0.44.dev20260713+nightly
codegen_flags: <defaults>
</compile_context>

<pallas_src>
import functools

import jax
import jax.numpy as jnp
from jax import lax
from jax.experimental import pallas as pl
from jax.experimental.pallas import tpu as pltpu
from jax.experimental.pallas import tpu_sc as plsc

N = 10000
E = 320000
D = 128

NC = 2
NS = 16
NW = NC * NS
ET = E // NW
K = 80
NCHUNK = ET // K

_mesh = plsc.VectorSubcoreMesh(core_axis_name="c", subcore_axis_name="s")


@functools.partial(
    pl.kernel,
    out_type=jax.ShapeDtypeStruct((E, D), jnp.float32),
    mesh=_mesh,
    scratch_types=[
        pltpu.VMEM((K,), jnp.int32),
        pltpu.VMEM((K,), jnp.int32),
        pltpu.VMEM((K, D), jnp.float32),
        pltpu.VMEM((K, D), jnp.float32),
        pltpu.SemaphoreType.DMA,
        pltpu.SemaphoreType.DMA,
    ],
)
def _gather_add(ps_hbm, pr_hbm, s_hbm, r_hbm, out_hbm,
                sidx, ridx, buf_s, buf_r, sem_s, sem_r):
    wid = lax.axis_index("s") * NC + lax.axis_index("c")
    tile_base = wid * ET

    def chunk(j, carry):
        base = pl.multiple_of(tile_base + j * K, 8)
        pltpu.sync_copy(s_hbm.at[pl.ds(base, K)], sidx)
        pltpu.sync_copy(r_hbm.at[pl.ds(base, K)], ridx)
        cp_s = pltpu.async_copy(ps_hbm.at[sidx], buf_s, sem_s)
        cp_r = pltpu.async_copy(pr_hbm.at[ridx], buf_r, sem_r)
        cp_s.wait()
        cp_r.wait()

        def row(rr, c2):
            for cc in range(D // 16):
                sl = pl.ds(cc * 16, 16)
                buf_s[rr, sl] = buf_s[rr, sl] + buf_r[rr, sl]
            return c2

        lax.fori_loop(0, K, row, 0)
        pltpu.sync_copy(buf_s, out_hbm.at[pl.ds(base, K)])
        return carry

    lax.fori_loop(0, NCHUNK, chunk, 0)


ZCH = 200
NZ = N // ZCH


@functools.partial(
    pl.kernel,
    out_type=(
        jax.ShapeDtypeStruct((N, D), jnp.float32),
        jax.ShapeDtypeStruct((N, D), jnp.float32),
    ),
    mesh=_mesh,
    scratch_types=[
        pltpu.VMEM_SHARED((N, D), jnp.float32),
        pltpu.VMEM((K,), jnp.int32),
        pltpu.VMEM((K, D), jnp.float32),
        pltpu.VMEM((ZCH, D), jnp.float32),
    ],
)
def _scatter_add(ne_hbm, r_hbm, out0, out1, shared, ridx, rows, zbuf):
    cid = lax.axis_index("c")
    sid = lax.axis_index("s")
    wid = sid * NC + cid
    tile_base = wid * ET

    def zrow(rr, carry):
        for cc in range(D // 16):
            zbuf[rr, pl.ds(cc * 16, 16)] = jnp.zeros((16,), jnp.float32)
        return carry

    lax.fori_loop(0, ZCH, zrow, 0)

    def zcopy(t, carry):
        q = sid + t * NS

        @pl.when(q < NZ)
        def _():
            base = pl.multiple_of(q * ZCH, 8)
            pltpu.sync_copy(zbuf, shared.at[pl.ds(base, ZCH)])

        return carry

    lax.fori_loop(0, (NZ + NS - 1) // NS, zcopy, 0)
    plsc.subcore_barrier()

    def chunk(j, carry):
        base = pl.multiple_of(tile_base + j * K, 8)
        pltpu.sync_copy(r_hbm.at[pl.ds(base, K)], ridx)
        pltpu.sync_copy(ne_hbm.at[pl.ds(base, K)], rows)
        pltpu.sync_copy(rows, shared.at[ridx], add=True)
        return carry

    lax.fori_loop(0, NCHUNK, chunk, 0)
    plsc.subcore_barrier()

    def ocopy(t, carry):
        q = sid + t * NS

        @pl.when((q < NZ) & (cid == 0))
        def _():
            base = pl.multiple_of(q * ZCH, 8)
            pltpu.sync_copy(shared.at[pl.ds(base, ZCH)],
                            out0.at[pl.ds(base, ZCH)])

        @pl.when((q < NZ) & (cid == 1))
        def _():
            base = pl.multiple_of(q * ZCH, 8)
            pltpu.sync_copy(shared.at[pl.ds(base, ZCH)],
                            out1.at[pl.ds(base, ZCH)])

        return carry

    lax.fori_loop(0, (NZ + NS - 1) // NS, ocopy, 0)


def _pre_body(nl_ref, ws_ref, wr_ref, ps_ref, pr_ref):
    x = nl_ref[...]
    ps_ref[...] = jnp.dot(x, ws_ref[...], preferred_element_type=jnp.float32)
    pr_ref[...] = jnp.dot(x, wr_ref[...], preferred_element_type=jnp.float32)


def _precompute(node_latent, w1s, w1r):
    blk = 2000
    grid = N // blk
    return pl.pallas_call(
        _pre_body,
        grid=(grid,),
        in_specs=[
            pl.BlockSpec((blk, D), lambda i: (i, 0)),
            pl.BlockSpec((D, D), lambda i: (0, 0)),
            pl.BlockSpec((D, D), lambda i: (0, 0)),
        ],
        out_specs=[
            pl.BlockSpec((blk, D), lambda i: (i, 0)),
            pl.BlockSpec((blk, D), lambda i: (i, 0)),
        ],
        out_shape=[
            jax.ShapeDtypeStruct((N, D), jnp.float32),
            jax.ShapeDtypeStruct((N, D), jnp.float32),
        ],
    )(node_latent, w1s, w1r)


def _edge_body(el_ref, g_ref, w1_ref, b1_ref, w2_ref, b2_ref, out_ref):
    el = el_ref[...]
    h = jnp.dot(el, w1_ref[...], preferred_element_type=jnp.float32)
    h = jnp.maximum(h + g_ref[...] + b1_ref[...], 0.0)
    out_ref[...] = el + jnp.dot(
        h, w2_ref[...], preferred_element_type=jnp.float32) + b2_ref[...]


def _edge_mlp(edge_latent, g, w1e, b1, w2, b2):
    blk = 2560
    grid = E // blk
    return pl.pallas_call(
        _edge_body,
        grid=(grid,),
        in_specs=[
            pl.BlockSpec((blk, D), lambda i: (i, 0)),
            pl.BlockSpec((blk, D), lambda i: (i, 0)),
            pl.BlockSpec((D, D), lambda i: (0, 0)),
            pl.BlockSpec((1, D), lambda i: (0, 0)),
            pl.BlockSpec((D, D), lambda i: (0, 0)),
            pl.BlockSpec((1, D), lambda i: (0, 0)),
        ],
        out_specs=pl.BlockSpec((blk, D), lambda i: (i, 0)),
        out_shape=jax.ShapeDtypeStruct((E, D), jnp.float32),
    )(edge_latent, g, w1e, b1, w2, b2)


def _node_body(nl_ref, a0_ref, a1_ref, w1n_ref, w1a_ref, b1_ref, w2_ref,
               b2_ref, out_ref):
    x = nl_ref[...]
    agg = a0_ref[...] + a1_ref[...]
    h = jnp.dot(x, w1n_ref[...], preferred_element_type=jnp.float32)
    h = h + jnp.dot(agg, w1a_ref[...], preferred_element_type=jnp.float32)
    h = jnp.maximum(h + b1_ref[...], 0.0)
    out_ref[...] = x + jnp.dot(
        h, w2_ref[...], preferred_element_type=jnp.float32) + b2_ref[...]


def _node_mlp(node_latent, a0, a1, w1n, w1a, b1, w2, b2):
    blk = 2000
    grid = N // blk
    return pl.pallas_call(
        _node_body,
        grid=(grid,),
        in_specs=[
            pl.BlockSpec((blk, D), lambda i: (i, 0)),
            pl.BlockSpec((blk, D), lambda i: (i, 0)),
            pl.BlockSpec((blk, D), lambda i: (i, 0)),
            pl.BlockSpec((D, D), lambda i: (0, 0)),
            pl.BlockSpec((D, D), lambda i: (0, 0)),
            pl.BlockSpec((1, D), lambda i: (0, 0)),
            pl.BlockSpec((D, D), lambda i: (0, 0)),
            pl.BlockSpec((1, D), lambda i: (0, 0)),
        ],
        out_specs=pl.BlockSpec((blk, D), lambda i: (i, 0)),
        out_shape=jax.ShapeDtypeStruct((N, D), jnp.float32),
    )(node_latent, a0, a1, w1n, w1a, b1, w2, b2)


def kernel(node_latent, edge_latent, eW1, eb1, eW2, eb2,
           nW1, nb1, nW2, nb2, senders, receivers):
    w1e, w1s, w1r = eW1[:D], eW1[D:2 * D], eW1[2 * D:]
    ps, pr = _precompute(node_latent, w1s, w1r)
    g = _gather_add(ps, pr, senders, receivers)
    new_edge = _edge_mlp(edge_latent, g, w1e, eb1.reshape(1, D), eW2,
                         eb2.reshape(1, D))
    a0, a1 = _scatter_add(new_edge, receivers)
    new_node = _node_mlp(node_latent, a0, a1, nW1[:D], nW1[D:],
                         nb1.reshape(1, D), nW2, nb2.reshape(1, D))
    return new_node, new_edge

# --- scband reference (transcript-rebuilt; emitter-appended) ---
"""Pipeline reference for scband-graph-net-block-88098369175666 (READ-ONLY COPY).

The authoritative reference and input builder live on the scoring server;
editing this copy changes nothing except your own understanding.
"""

import jax, jax.numpy as jnp
import numpy as np

N_NODES = 10000
N_EDGES = 320000
D = 128


def _mlp_params(key, in_dim, hidden_dim, out_dim):
    k1, k2 = jax.random.split(key)
    W1 = jax.random.normal(k1, (in_dim, hidden_dim), dtype=jnp.float32) / np.sqrt(in_dim)
    b1 = jnp.zeros((hidden_dim,), dtype=jnp.float32)
    W2 = jax.random.normal(k2, (hidden_dim, out_dim), dtype=jnp.float32) / np.sqrt(hidden_dim)
    b2 = jnp.zeros((out_dim,), dtype=jnp.float32)
    return W1, b1, W2, b2


def setup_inputs(seed: int = 0) -> dict:
    key = jax.random.key(seed)
    k1, k2, k3, k4, k5, k6 = jax.random.split(key, 6)
    node_latent = jax.random.normal(k1, (N_NODES, D), dtype=jnp.float32)
    edge_latent = jax.random.normal(k2, (N_EDGES, D), dtype=jnp.float32)
    senders = jax.random.randint(k3, (N_EDGES,), 0, N_NODES, dtype=jnp.int32)
    receivers = jax.random.randint(k4, (N_EDGES,), 0, N_NODES, dtype=jnp.int32)
    eW1, eb1, eW2, eb2 = _mlp_params(k5, 3 * D, D, D)
    nW1, nb1, nW2, nb2 = _mlp_params(k6, 2 * D, D, D)
    return {
        "node_latent": node_latent,
        "edge_latent": edge_latent,
        "eW1": eW1, "eb1": eb1, "eW2": eW2, "eb2": eb2,
        "nW1": nW1, "nb1": nb1, "nW2": nW2, "nb2": nb2,
        "senders": senders,
        "receivers": receivers,
    }


def _mlp(x, W1, b1, W2, b2):
    h = jnp.maximum(x @ W1 + b1, 0.0)
    return h @ W2 + b2


def reference(node_latent, edge_latent, eW1, eb1, eW2, eb2, nW1, nb1, nW2, nb2, senders, receivers):
    sender_feat = jnp.take(node_latent, senders, axis=0)
    receiver_feat = jnp.take(node_latent, receivers, axis=0)
    edge_input = jnp.concatenate((edge_latent, sender_feat, receiver_feat), axis=-1)
    edge_update = _mlp(edge_input, eW1, eb1, eW2, eb2)
    new_edge = edge_latent + edge_update
    num_nodes = node_latent.shape[0]
    aggregated = jnp.zeros((num_nodes, new_edge.shape[-1]), dtype=new_edge.dtype).at[receivers].add(new_edge)
    node_input = jnp.concatenate((node_latent, aggregated), axis=-1)
    node_update = _mlp(node_input, nW1, nb1, nW2, nb2)
    new_node = node_latent + node_update
    return (new_node, new_edge)

if __name__ == "__main__":
    import jax
    _d = setup_inputs()
    print(jax.jit(kernel)(*tuple(_d.values())))

</pallas_src>

<mosaic_0001>
#map = affine_map<(d0, d1) -> (0, 0)>
#map1 = affine_map<(d0, d1) -> (0)>
module attributes {stable_mosaic.version = 14 : i64} {
  func.func @_scatter_add(%arg0: i32, %arg1: i32, %arg2: memref<320000x128xf32, #tpu.memory_space<hbm>>, %arg3: memref<320000xi32, #tpu.memory_space<hbm>>, %arg4: memref<10000x128xf32, #tpu.memory_space<hbm>>, %arg5: memref<10000x128xf32, #tpu.memory_space<hbm>>, %arg6: memref<10000x128xf32, #tpu.memory_space<vmem_shared>>, %arg7: memref<80xi32, #tpu.memory_space<vmem>>, %arg8: memref<80x128xf32, #tpu.memory_space<vmem>>, %arg9: memref<200x128xf32, #tpu.memory_space<vmem>>) attributes {dimension_semantics = [#tpu.dimension_semantics<core_parallel>, #tpu.dimension_semantics<subcore_parallel>], iteration_bounds = array<i64: 2, 16>, scalar_prefetch = 0 : i64, scratch_operands = 4 : i64, tpu.core_type = #tpu.core_type<sc_vector_subcore>, window_params = [{transform_indices = #map}, {transform_indices = #map1}, {transform_indices = #map}, {transform_indices = #map}]} {
    %mul3A = arith.constant 2 : i32
    %mul3A_0 = arith.muli %arg1, %mul3A : i32
    %add3A = arith.addi %mul3A_0, %arg0 : i32
    %mul3A_1 = arith.constant 10000 : i32
    %mul3A_2 = arith.muli %add3A, %mul3A_1 : i32
    %scan3A = arith.constant 0 : i32
    %scan3A_3 = arith.constant 0 : i32
    %scan3A_4 = arith.constant 200 : i32
    %scan3A_5 = arith.addi %scan3A_3, %scan3A_4 : i32
    %scan3A_6 = arith.constant 1 : i32
    scf.for %scan3A_27 = %scan3A_3 to %scan3A_5 step %scan3A_6  : i32 {
      %broadcast_in_dim3A = arith.constant 0.000000e+00 : f32
      %broadcast_in_dim3A_28 = vector.broadcast %broadcast_in_dim3A : f32 to vector<16xf32>
      %swap3A = arith.index_cast %scan3A_27 : i32 to index
      %swap3A_29 = arith.constant 0 : index
      %swap3A_30 = tpu.vector_load %arg9[%swap3A, %swap3A_29] {strides = array<i32>} : memref<200x128xf32, #tpu.memory_space<vmem>>, vector<1x16xf32>,
      %swap3A_31 = vector.shape_cast %swap3A_30 : vector<1x16xf32> to vector<16xf32>
      %swap3A_32 = vector.shape_cast %broadcast_in_dim3A_28 : vector<16xf32> to vector<1x16xf32>
      tpu.vector_store %arg9[%swap3A, %swap3A_29], %swap3A_32 {strides = array<i32>} : memref<200x128xf32, #tpu.memory_space<vmem>>, vector<1x16xf32>,
      %broadcast_in_dim3A_33 = arith.constant 0.000000e+00 : f32
      %broadcast_in_dim3A_34 = vector.broadcast %broadcast_in_dim3A_33 : f32 to vector<16xf32>
      %swap3A_35 = arith.index_cast %scan3A_27 : i32 to index
      %swap3A_36 = arith.constant 16 : index
      %swap3A_37 = tpu.vector_load %arg9[%swap3A_35, %swap3A_36] {strides = array<i32>} : memref<200x128xf32, #tpu.memory_space<vmem>>, vector<1x16xf32>,
      %swap3A_38 = vector.shape_cast %swap3A_37 : vector<1x16xf32> to vector<16xf32>
      %swap3A_39 = vector.shape_cast %broadcast_in_dim3A_34 : vector<16xf32> to vector<1x16xf32>
      tpu.vector_store %arg9[%swap3A_35, %swap3A_36], %swap3A_39 {strides = array<i32>} : memref<200x128xf32, #tpu.memory_space<vmem>>, vector<1x16xf32>,
      %broadcast_in_dim3A_40 = arith.constant 0.000000e+00 : f32
      %broadcast_in_dim3A_41 = vector.broadcast %broadcast_in_dim3A_40 : f32 to vector<16xf32>
      %swap3A_42 = arith.index_cast %scan3A_27 : i32 to index
      %swap3A_43 = arith.constant 32 : index
      %swap3A_44 = tpu.vector_load %arg9[%swap3A_42, %swap3A_43] {strides = array<i32>} : memref<200x128xf32, #tpu.memory_space<vmem>>, vector<1x16xf32>,
      %swap3A_45 = vector.shape_cast %swap3A_44 : vector<1x16xf32> to vector<16xf32>
      %swap3A_46 = vector.shape_cast %broadcast_in_dim3A_41 : vector<16xf32> to vector<1x16xf32>
      tpu.vector_store %arg9[%swap3A_42, %swap3A_43], %swap3A_46 {strides = array<i32>} : memref<200x128xf32, #tpu.memory_space<vmem>>, vector<1x16xf32>,
      %broadcast_in_dim3A_47 = arith.constant 0.000000e+00 : f32
      %broadcast_in_dim3A_48 = vector.broadcast %broadcast_in_dim3A_47 : f32 to vector<16xf32>
      %swap3A_49 = arith.index_cast %scan3A_27 : i32 to index
      %swap3A_50 = arith.constant 48 : index
      %swap3A_51 = tpu.vector_load %arg9[%swap3A_49, %swap3A_50] {strides = array<i32>} : memref<200x128xf32, #tpu.memory_space<vmem>>, vector<1x16xf32>,
      %swap3A_52 = vector.shape_cast %swap3A_51 : vector<1x16xf32> to vector<16xf32>
      %swap3A_53 = vector.shape_cast %broadcast_in_dim3A_48 : vector<16xf32> to vector<1x16xf32>
      tpu.vector_store %arg9[%swap3A_49, %swap3A_50], %swap3A_53 {strides = array<i32>} : memref<200x128xf32, #tpu.memory_space<vmem>>, vector<1x16xf32>,
      %broadcast_in_dim3A_54 = arith.constant 0.000000e+00 : f32
      %broadcast_in_dim3A_55 = vector.broadcast %broadcast_in_dim3A_54 : f32 to vector<16xf32>
      %swap3A_56 = arith.index_cast %scan3A_27 : i32 to index
      %swap3A_57 = arith.constant 64 : index
      %swap3A_58 = tpu.vector_load %arg9[%swap3A_56, %swap3A_57] {strides = array<i32>} : memref<200x128xf32, #tpu.memory_space<vmem>>, vector<1x16xf32>,
      %swap3A_59 = vector.shape_cast %swap3A_58 : vector<1x16xf32> to vector<16xf32>
      %swap3A_60 = vector.shape_cast %broadcast_in_dim3A_55 : vector<16xf32> to vector<1x16xf32>
      tpu.vector_store %arg9[%swap3A_56, %swap3A_57], %swap3A_60 {strides = array<i32>} : memref<200x128xf32, #tpu.memory_space<vmem>>, vector<1x16xf32>,
      %broadcast_in_dim3A_61 = arith.constant 0.000000e+00 : f32
      %broadcast_in_dim3A_62 = vector.broadcast %broadcast_in_dim3A_61 : f32 to vector<16xf32>
      %swap3A_63 = arith.index_cast %scan3A_27 : i32 to index
      %swap3A_64 = arith.constant 80 : index
      %swap3A_65 = tpu.vector_load %arg9[%swap3A_63, %swap3A_64] {strides = array<i32>} : memref<200x128xf32, #tpu.memory_space<vmem>>, vector<1x16xf32>,
      %swap3A_66 = vector.shape_cast %swap3A_65 : vector<1x16xf32> to vector<16xf32>
      %swap3A_67 = vector.shape_cast %broadcast_in_dim3A_62 : vector<16xf32> to vector<1x16xf32>
      tpu.vector_store %arg9[%swap3A_63, %swap3A_64], %swap3A_67 {strides = array<i32>} : memref<200x128xf32, #tpu.memory_space<vmem>>, vector<1x16xf32>,
      %broadcast_in_dim3A_68 = arith.constant 0.000000e+00 : f32
      %broadcast_in_dim3A_69 = vector.broadcast %broadcast_in_dim3A_68 : f32 to vector<16xf32>
      %swap3A_70 = arith.index_cast %scan3A_27 : i32 to index
      %swap3A_71 = arith.constant 96 : index
      %swap3A_72 = tpu.vector_load %arg9[%swap3A_70, %swap3A_71] {strides = array<i32>} : memref<200x128xf32, #tpu.memory_space<vmem>>, vector<1x16xf32>,
      %swap3A_73 = vector.shape_cast %swap3A_72 : vector<1x16xf32> to vector<16xf32>
      %swap3A_74 = vector.shape_cast %broadcast_in_dim3A_69 : vector<16xf32> to vector<1x16xf32>
      tpu.vector_store %arg9[%swap3A_70, %swap3A_71], %swap3A_74 {strides = array<i32>} : memref<200x128xf32, #tpu.memory_space<vmem>>, vector<1x16xf32>,
      %broadcast_in_dim3A_75 = arith.constant 0.000000e+00 : f32
      %broadcast_in_dim3A_76 = vector.broadcast %broadcast_in_dim3A_75 : f32 to vector<16xf32>
      %swap3A_77 = arith.index_cast %scan3A_27 : i32 to index
      %swap3A_78 = arith.constant 112 : index
      %swap3A_79 = tpu.vector_load %arg9[%swap3A_77, %swap3A_78] {strides = array<i32>} : memref<200x128xf32, #tpu.memory_space<vmem>>, vector<1x16xf32>,
      %swap3A_80 = vector.shape_cast %swap3A_79 : vector<1x16xf32> to vector<16xf32>
      %swap3A_81 = vector.shape_cast %broadcast_in_dim3A_76 : vector<16xf32> to vector<1x16xf32>
      tpu.vector_store %arg9[%swap3A_77, %swap3A_78], %swap3A_81 {strides = array<i32>} : memref<200x128xf32, #tpu.memory_space<vmem>>, vector<1x16xf32>,
    }
    %scan3A_7 = arith.constant 200 : i32
    %scan3A_8 = arith.constant 0 : i32
    %scan3A_9 = arith.constant 0 : i32
    %scan3A_10 = arith.constant 4 : i32
    %scan3A_11 = arith.addi %scan3A_9, %scan3A_10 : i32
    %scan3A_12 = arith.constant 1 : i32
    scf.for %scan3A_27 = %scan3A_9 to %scan3A_11 step %scan3A_12  : i32 {
      %mul3A_28 = arith.constant 16 : i32
      %mul3A_29 = arith.muli %scan3A_27, %mul3A_28 : i32
      %add3A_30 = arith.addi %arg1, %mul3A_29 : i32
      %lt3A = arith.constant 50 : i32
      %lt3A_31 = arith.cmpi slt, %add3A_30, %lt3A : i32
      %convert_element_type3A = arith.extui %lt3A_31 : i1 to i32
      %cond3A = arith.constant 0 : i32
      %cond3A_32 = arith.cmpi ne, %convert_element_type3A, %cond3A : i32
      scf.if %cond3A_32 {
        %mul3A_33 = arith.constant 200 : i32
        %mul3A_34 = arith.muli %add3A_30, %mul3A_33 : i32
        %multiple_of3A = tpu.assume_multiple %mul3A_34, 8 : i32
        "tpu.region"() ({
          %run_scoped3A = tpu.sem_alloc : memref<!tpu.dma_semaphore, #tpu.memory_space<semaphore_mem>>
          %dma_start3A = arith.constant 0 : i32
          %dma_start3A_35 = tpu.memref_slice %arg6[%multiple_of3A, %dma_start3A] : memref<10000x128xf32, #tpu.memory_space<vmem_shared>> -> memref<200x128xf32, #tpu.memory_space<vmem_shared>>
          %dma_start3A_36 = arith.constant 0 : i32
          %dma_start3A_37 = tpu.memref_slice %arg6[%multiple_of3A, %dma_start3A_36] : memref<10000x128xf32, #tpu.memory_space<vmem_shared>> -> memref<200x128xf32, #tpu.memory_space<vmem_shared>>
          tpu.enqueue_dma source(%arg9 : memref<200x128xf32, #tpu.memory_space<vmem>>) target(%dma_start3A_37 : memref<200x128xf32, #tpu.memory_space<vmem_shared>>) target_semaphore(%run_scoped3A : memref<!tpu.dma_semaphore, #tpu.memory_space<semaphore_mem>>)
          %dma_wait3A = arith.constant 0 : i32
          %dma_wait3A_38 = tpu.memref_slice %arg6[%multiple_of3A, %dma_wait3A] : memref<10000x128xf32, #tpu.memory_space<vmem_shared>> -> memref<200x128xf32, #tpu.memory_space<vmem_shared>>
          %dma_wait3A_39 = arith.constant 0 : i32
          %dma_wait3A_40 = tpu.memref_slice %arg6[%multiple_of3A, %dma_wait3A_39] : memref<10000x128xf32, #tpu.memory_space<vmem_shared>> -> memref<200x128xf32, #tpu.memory_space<vmem_shared>>
          tpu.wait_dma2 semaphore(%run_scoped3A : memref<!tpu.dma_semaphore, #tpu.memory_space<semaphore_mem>>) src(%arg9 : memref<200x128xf32, #tpu.memory_space<vmem>>) dst(%dma_wait3A_40 : memref<200x128xf32, #tpu.memory_space<vmem_shared>>)
          tpu.yield
        }) : () -> ()
      } else {
      }
    }
    %scan3A_13 = arith.constant 4 : i32
    %barrier3A = arith.constant 0 : index
    tpu.barrier barrier_id(%barrier3A)
    %scan3A_14 = arith.constant 0 : i32
    %scan3A_15 = arith.constant 0 : i32
    %scan3A_16 = arith.constant 125 : i32
    %scan3A_17 = arith.addi %scan3A_15, %scan3A_16 : i32
    %scan3A_18 = arith.constant 1 : i32
    scf.for %scan3A_27 = %scan3A_15 to %scan3A_17 step %scan3A_18  : i32 {
      %mul3A_28 = arith.constant 80 : i32
      %mul3A_29 = arith.muli %scan3A_27, %mul3A_28 : i32
      %add3A_30 = arith.addi %mul3A_2, %mul3A_29 : i32
      %multiple_of3A = tpu.assume_multiple %add3A_30, 8 : i32
      "tpu.region"() ({
        %run_scoped3A = tpu.sem_alloc : memref<!tpu.dma_semaphore, #tpu.memory_space<semaphore_mem>>
        %dma_start3A = tpu.memref_slice %arg3[%multiple_of3A] : memref<320000xi32, #tpu.memory_space<hbm>> -> memref<80xi32, #tpu.memory_space<hbm>>
        %dma_start3A_31 = tpu.memref_slice %arg3[%multiple_of3A] : memref<320000xi32, #tpu.memory_space<hbm>> -> memref<80xi32, #tpu.memory_space<hbm>>
        tpu.enqueue_dma source(%dma_start3A_31 : memref<80xi32, #tpu.memory_space<hbm>>) target(%arg7 : memref<80xi32, #tpu.memory_space<vmem>>) target_semaphore(%run_scoped3A : memref<!tpu.dma_semaphore, #tpu.memory_space<semaphore_mem>>)
        %dma_wait3A = tpu.memref_slice %arg3[%multiple_of3A] : memref<320000xi32, #tpu.memory_space<hbm>> -> memref<80xi32, #tpu.memory_space<hbm>>
        %dma_wait3A_32 = tpu.memref_slice %arg3[%multiple_of3A] : memref<320000xi32, #tpu.memory_space<hbm>> -> memref<80xi32, #tpu.memory_space<hbm>>
        tpu.wait_dma2 semaphore(%run_scoped3A : memref<!tpu.dma_semaphore, #tpu.memory_space<semaphore_mem>>) src(%dma_wait3A_32 : memref<80xi32, #tpu.memory_space<hbm>>) dst(%arg7 : memref<80xi32, #tpu.memory_space<vmem>>)
        tpu.yield
      }) : () -> ()
      "tpu.region"() ({
        %run_scoped3A = tpu.sem_alloc : memref<!tpu.dma_semaphore, #tpu.memory_space<semaphore_mem>>
        %dma_start3A = arith.constant 0 : i32
        %dma_start3A_31 = tpu.memref_slice %arg2[%multiple_of3A, %dma_start3A] : memref<320000x128xf32, #tpu.memory_space<hbm>> -> memref<80x128xf32, #tpu.memory_space<hbm>>
        %dma_start3A_32 = arith.constant 0 : i32
        %dma_start3A_33 = tpu.memref_slice %arg2[%multiple_of3A, %dma_start3A_32] : memref<320000x128xf32, #tpu.memory_space<hbm>> -> memref<80x128xf32, #tpu.memory_space<hbm>>
        tpu.enqueue_dma source(%dma_start3A_33 : memref<80x128xf32, #tpu.memory_space<hbm>>) target(%arg8 : memref<80x128xf32, #tpu.memory_space<vmem>>) target_semaphore(%run_scoped3A : memref<!tpu.dma_semaphore, #tpu.memory_space<semaphore_mem>>)
        %dma_wait3A = arith.constant 0 : i32
        %dma_wait3A_34 = tpu.memref_slice %arg2[%multiple_of3A, %dma_wait3A] : memref<320000x128xf32, #tpu.memory_space<hbm>> -> memref<80x128xf32, #tpu.memory_space<hbm>>
        %dma_wait3A_35 = arith.constant 0 : i32
        %dma_wait3A_36 = tpu.memref_slice %arg2[%multiple_of3A, %dma_wait3A_35] : memref<320000x128xf32, #tpu.memory_space<hbm>> -> memref<80x128xf32, #tpu.memory_space<hbm>>
        tpu.wait_dma2 semaphore(%run_scoped3A : memref<!tpu.dma_semaphore, #tpu.memory_space<semaphore_mem>>) src(%dma_wait3A_36 : memref<80x128xf32, #tpu.memory_space<hbm>>) dst(%arg8 : memref<80x128xf32, #tpu.memory_space<vmem>>)
        tpu.yield
      }) : () -> ()
      "tpu.region"() ({
        %run_scoped3A = tpu.sem_alloc : memref<!tpu.dma_semaphore, #tpu.memory_space<semaphore_mem>>
        %dma_start3A = arith.constant 0 : i32
        %dma_start3A_31 = arith.constant 0 : i32
        %dma_start3A_32 = tpu.memref_slice %arg6[%dma_start3A, %dma_start3A_31] : memref<10000x128xf32, #tpu.memory_space<vmem_shared>> -> memref<10000x128xf32, #tpu.memory_space<vmem_shared>>
        tpu.enqueue_indirect_dma source(%arg8 : memref<80x128xf32, #tpu.memory_space<vmem>>) target(%dma_start3A_32 : memref<10000x128xf32, #tpu.memory_space<vmem_shared>>) offsets(%arg7 : memref<80xi32, #tpu.memory_space<vmem>>) semaphore(%run_scoped3A : memref<!tpu.dma_semaphore, #tpu.memory_space<semaphore_mem>>) {add = true}
        %dma_wait3A = arith.constant 0 : i32
        %dma_wait3A_33 = arith.constant 0 : i32
        %dma_wait3A_34 = tpu.memref_slice %arg6[%dma_wait3A, %dma_wait3A_33] : memref<10000x128xf32, #tpu.memory_space<vmem_shared>> -> memref<10000x128xf32, #tpu.memory_space<vmem_shared>>
        tpu.wait_indirect_dma semaphore(%run_scoped3A : memref<!tpu.dma_semaphore, #tpu.memory_space<semaphore_mem>>) src(%arg8 : memref<80x128xf32, #tpu.memory_space<vmem>>) dst(%dma_wait3A_34 : memref<10000x128xf32, #tpu.memory_space<vmem_shared>>)
        tpu.yield
      }) : () -> ()
    }
    %scan3A_19 = arith.constant 125 : i32
    %barrier3A_20 = arith.constant 0 : index
    tpu.barrier barrier_id(%barrier3A_20)
    %scan3A_21 = arith.constant 0 : i32
    %scan3A_22 = arith.constant 0 : i32
    %scan3A_23 = arith.constant 4 : i32
    %scan3A_24 = arith.addi %scan3A_22, %scan3A_23 : i32
    %scan3A_25 = arith.constant 1 : i32
    scf.for %scan3A_27 = %scan3A_22 to %scan3A_24 step %scan3A_25  : i32 {
      %mul3A_28 = arith.constant 16 : i32
      %mul3A_29 = arith.muli %scan3A_27, %mul3A_28 : i32
      %add3A_30 = arith.addi %arg1, %mul3A_29 : i32
      %lt3A = arith.constant 50 : i32
      %lt3A_31 = arith.cmpi slt, %add3A_30, %lt3A : i32
      %eq3A = arith.constant 0 : i32
      %eq3A_32 = arith.cmpi eq, %arg0, %eq3A : i32
      %and3A = arith.andi %lt3A_31, %eq3A_32 : i1
      %convert_element_type3A = arith.extui %and3A : i1 to i32
      %cond3A = arith.constant 0 : i32
      %cond3A_33 = arith.cmpi ne, %convert_element_type3A, %cond3A : i32
      scf.if %cond3A_33 {
        %mul3A_42 = arith.constant 200 : i32
        %mul3A_43 = arith.muli %add3A_30, %mul3A_42 : i32
        %multiple_of3A = tpu.assume_multiple %mul3A_43, 8 : i32
        "tpu.region"() ({
          %run_scoped3A = tpu.sem_alloc : memref<!tpu.dma_semaphore, #tpu.memory_space<semaphore_mem>>
          %dma_start3A = arith.constant 0 : i32
          %dma_start3A_44 = tpu.memref_slice %arg4[%multiple_of3A, %dma_start3A] : memref<10000x128xf32, #tpu.memory_space<hbm>> -> memref<200x128xf32, #tpu.memory_space<hbm>>
          %dma_start3A_45 = arith.constant 0 : i32
          %dma_start3A_46 = tpu.memref_slice %arg6[%multiple_of3A, %dma_start3A_45] : memref<10000x128xf32, #tpu.memory_space<vmem_shared>> -> memref<200x128xf32, #tpu.memory_space<vmem_shared>>
          tpu.enqueue_dma source(%dma_start3A_46 : memref<200x128xf32, #tpu.memory_space<vmem_shared>>) target(%dma_start3A_44 : memref<200x128xf32, #tpu.memory_space<hbm>>) target_semaphore(%run_scoped3A : memref<!tpu.dma_semaphore, #tpu.memory_space<semaphore_mem>>)
          %dma_wait3A = arith.constant 0 : i32
          %dma_wait3A_47 = tpu.memref_slice %arg4[%multiple_of3A, %dma_wait3A] : memref<10000x128xf32, #tpu.memory_space<hbm>> -> memref<200x128xf32, #tpu.memory_space<hbm>>
          %dma_wait3A_48 = arith.constant 0 : i32
          %dma_wait3A_49 = tpu.memref_slice %arg6[%multiple_of3A, %dma_wait3A_48] : memref<10000x128xf32, #tpu.memory_space<vmem_shared>> -> memref<200x128xf32, #tpu.memory_space<vmem_shared>>
          tpu.wait_dma2 semaphore(%run_scoped3A : memref<!tpu.dma_semaphore, #tpu.memory_space<semaphore_mem>>) src(%dma_wait3A_49 : memref<200x128xf32, #tpu.memory_space<vmem_shared>>) dst(%dma_wait3A_47 : memref<200x128xf32, #tpu.memory_space<hbm>>)
          tpu.yield
        }) : () -> ()
      } else {
      }
      %lt3A_34 = arith.constant 50 : i32
      %lt3A_35 = arith.cmpi slt, %add3A_30, %lt3A_34 : i32
      %eq3A_36 = arith.constant 1 : i32
      %eq3A_37 = arith.cmpi eq, %arg0, %eq3A_36 : i32
      %and3A_38 = arith.andi %lt3A_35, %eq3A_37 : i1
      %convert_element_type3A_39 = arith.extui %and3A_38 : i1 to i32
      %cond3A_40 = arith.constant 0 : i32
      %cond3A_41 = arith.cmpi ne, %convert_element_type3A_39, %cond3A_40 : i32
      scf.if %cond3A_41 {
        %mul3A_42 = arith.constant 200 : i32
        %mul3A_43 = arith.muli %add3A_30, %mul3A_42 : i32
        %multiple_of3A = tpu.assume_multiple %mul3A_43, 8 : i32
        "tpu.region"() ({
          %run_scoped3A = tpu.sem_alloc : memref<!tpu.dma_semaphore, #tpu.memory_space<semaphore_mem>>
          %dma_start3A = arith.constant 0 : i32
          %dma_start3A_44 = tpu.memref_slice %arg5[%multiple_of3A, %dma_start3A] : memref<10000x128xf32, #tpu.memory_space<hbm>> -> memref<200x128xf32, #tpu.memory_space<hbm>>
          %dma_start3A_45 = arith.constant 0 : i32
          %dma_start3A_46 = tpu.memref_slice %arg6[%multiple_of3A, %dma_start3A_45] : memref<10000x128xf32, #tpu.memory_space<vmem_shared>> -> memref<200x128xf32, #tpu.memory_space<vmem_shared>>
          tpu.enqueue_dma source(%dma_start3A_46 : memref<200x128xf32, #tpu.memory_space<vmem_shared>>) target(%dma_start3A_44 : memref<200x128xf32, #tpu.memory_space<hbm>>) target_semaphore(%run_scoped3A : memref<!tpu.dma_semaphore, #tpu.memory_space<semaphore_mem>>)
          %dma_wait3A = arith.constant 0 : i32
          %dma_wait3A_47 = tpu.memref_slice %arg5[%multiple_of3A, %dma_wait3A] : memref<10000x128xf32, #tpu.memory_space<hbm>> -> memref<200x128xf32, #tpu.memory_space<hbm>>
          %dma_wait3A_48 = arith.constant 0 : i32
          %dma_wait3A_49 = tpu.memref_slice %arg6[%multiple_of3A, %dma_wait3A_48] : memref<10000x128xf32, #tpu.memory_space<vmem_shared>> -> memref<200x128xf32, #tpu.memory_space<vmem_shared>>
          tpu.wait_dma2 semaphore(%run_scoped3A : memref<!tpu.dma_semaphore, #tpu.memory_space<semaphore_mem>>) src(%dma_wait3A_49 : memref<200x128xf32, #tpu.memory_space<vmem_shared>>) dst(%dma_wait3A_47 : memref<200x128xf32, #tpu.memory_space<hbm>>)
          tpu.yield
        }) : () -> ()
      } else {
      }
    }
    %scan3A_26 = arith.constant 4 : i32
    return
  }
}

#map = affine_map<(d0, d1) -> (0, 0)>
#map1 = affine_map<(d0, d1) -> (0)>
module attributes {stable_mosaic.version = 14 : i64} {
  func.func @_gather_add(%arg0: i32, %arg1: i32, %arg2: memref<10000x128xf32, #tpu.memory_space<hbm>>, %arg3: memref<10000x128xf32, #tpu.memory_space<hbm>>, %arg4: memref<320000xi32, #tpu.memory_space<hbm>>, %arg5: memref<320000xi32, #tpu.memory_space<hbm>>, %arg6: memref<320000x128xf32, #tpu.memory_space<hbm>>, %arg7: memref<80xi32, #tpu.memory_space<vmem>>, %arg8: memref<80xi32, #tpu.memory_space<vmem>>, %arg9: memref<80x128xf32, #tpu.memory_space<vmem>>, %arg10: memref<80x128xf32, #tpu.memory_space<vmem>>, %arg11: memref<!tpu.dma_semaphore, #tpu.memory_space<semaphore_mem>>, %arg12: memref<!tpu.dma_semaphore, #tpu.memory_space<semaphore_mem>>) attributes {dimension_semantics = [#tpu.dimension_semantics<core_parallel>, #tpu.dimension_semantics<subcore_parallel>], iteration_bounds = array<i64: 2, 16>, scalar_prefetch = 0 : i64, scratch_operands = 6 : i64, tpu.core_type = #tpu.core_type<sc_vector_subcore>, window_params = [{transform_indices = #map}, {transform_indices = #map}, {transform_indices = #map1}, {transform_indices = #map1}, {transform_indices = #map}]} {
    %mul3A = arith.constant 2 : i32
    %mul3A_0 = arith.muli %arg1, %mul3A : i32
    %add3A = arith.addi %mul3A_0, %arg0 : i32
    %mul3A_1 = arith.constant 10000 : i32
    %mul3A_2 = arith.muli %add3A, %mul3A_1 : i32
    %scan3A = arith.constant 0 : i32
    %scan3A_3 = arith.constant 0 : i32
    %scan3A_4 = arith.constant 125 : i32
    %scan3A_5 = arith.addi %scan3A_3, %scan3A_4 : i32
    %scan3A_6 = arith.constant 1 : i32
    scf.for %scan3A_8 = %scan3A_3 to %scan3A_5 step %scan3A_6  : i32 {
      %mul3A_9 = arith.constant 80 : i32
      %mul3A_10 = arith.muli %scan3A_8, %mul3A_9 : i32
      %add3A_11 = arith.addi %mul3A_2, %mul3A_10 : i32
      %multiple_of3A = tpu.assume_multiple %add3A_11, 8 : i32
      "tpu.region"() ({
        %run_scoped3A = tpu.sem_alloc : memref<!tpu.dma_semaphore, #tpu.memory_space<semaphore_mem>>
        %dma_start3A_28 = tpu.memref_slice %arg4[%multiple_of3A] : memref<320000xi32, #tpu.memory_space<hbm>> -> memref<80xi32, #tpu.memory_space<hbm>>
        %dma_start3A_29 = tpu.memref_slice %arg4[%multiple_of3A] : memref<320000xi32, #tpu.memory_space<hbm>> -> memref<80xi32, #tpu.memory_space<hbm>>
        tpu.enqueue_dma source(%dma_start3A_29 : memref<80xi32, #tpu.memory_space<hbm>>) target(%arg7 : memref<80xi32, #tpu.memory_space<vmem>>) target_semaphore(%run_scoped3A : memref<!tpu.dma_semaphore, #tpu.memory_space<semaphore_mem>>)
        %dma_wait3A_30 = tpu.memref_slice %arg4[%multiple_of3A] : memref<320000xi32, #tpu.memory_space<hbm>> -> memref<80xi32, #tpu.memory_space<hbm>>
        %dma_wait3A_31 = tpu.memref_slice %arg4[%multiple_of3A] : memref<320000xi32, #tpu.memory_space<hbm>> -> memref<80xi32, #tpu.memory_space<hbm>>
        tpu.wait_dma2 semaphore(%run_scoped3A : memref<!tpu.dma_semaphore, #tpu.memory_space<semaphore_mem>>) src(%dma_wait3A_31 : memref<80xi32, #tpu.memory_space<hbm>>) dst(%arg7 : memref<80xi32, #tpu.memory_space<vmem>>)
        tpu.yield
      }) : () -> ()
      "tpu.region"() ({
        %run_scoped3A = tpu.sem_alloc : memref<!tpu.dma_semaphore, #tpu.memory_space<semaphore_mem>>
        %dma_start3A_28 = tpu.memref_slice %arg5[%multiple_of3A] : memref<320000xi32, #tpu.memory_space<hbm>> -> memref<80xi32, #tpu.memory_space<hbm>>
        %dma_start3A_29 = tpu.memref_slice %arg5[%multiple_of3A] : memref<320000xi32, #tpu.memory_space<hbm>> -> memref<80xi32, #tpu.memory_space<hbm>>
        tpu.enqueue_dma source(%dma_start3A_29 : memref<80xi32, #tpu.memory_space<hbm>>) target(%arg8 : memref<80xi32, #tpu.memory_space<vmem>>) target_semaphore(%run_scoped3A : memref<!tpu.dma_semaphore, #tpu.memory_space<semaphore_mem>>)
        %dma_wait3A_30 = tpu.memref_slice %arg5[%multiple_of3A] : memref<320000xi32, #tpu.memory_space<hbm>> -> memref<80xi32, #tpu.memory_space<hbm>>
        %dma_wait3A_31 = tpu.memref_slice %arg5[%multiple_of3A] : memref<320000xi32, #tpu.memory_space<hbm>> -> memref<80xi32, #tpu.memory_space<hbm>>
        tpu.wait_dma2 semaphore(%run_scoped3A : memref<!tpu.dma_semaphore, #tpu.memory_space<semaphore_mem>>) src(%dma_wait3A_31 : memref<80xi32, #tpu.memory_space<hbm>>) dst(%arg8 : memref<80xi32, #tpu.memory_space<vmem>>)
        tpu.yield
      }) : () -> ()
      %dma_start3A = arith.constant 0 : i32
      %dma_start3A_12 = arith.constant 0 : i32
      %dma_start3A_13 = tpu.memref_slice %arg2[%dma_start3A, %dma_start3A_12] : memref<10000x128xf32, #tpu.memory_space<hbm>> -> memref<10000x128xf32, #tpu.memory_space<hbm>>
      tpu.enqueue_indirect_dma source(%dma_start3A_13 : memref<10000x128xf32, #tpu.memory_space<hbm>>) target(%arg9 : memref<80x128xf32, #tpu.memory_space<vmem>>) offsets(%arg7 : memref<80xi32, #tpu.memory_space<vmem>>) semaphore(%arg11 : memref<!tpu.dma_semaphore, #tpu.memory_space<semaphore_mem>>)
      %dma_start3A_14 = arith.constant 0 : i32
      %dma_start3A_15 = arith.constant 0 : i32
      %dma_start3A_16 = tpu.memref_slice %arg3[%dma_start3A_14, %dma_start3A_15] : memref<10000x128xf32, #tpu.memory_space<hbm>> -> memref<10000x128xf32, #tpu.memory_space<hbm>>
      tpu.enqueue_indirect_dma source(%dma_start3A_16 : memref<10000x128xf32, #tpu.memory_space<hbm>>) target(%arg10 : memref<80x128xf32, #tpu.memory_space<vmem>>) offsets(%arg8 : memref<80xi32, #tpu.memory_space<vmem>>) semaphore(%arg12 : memref<!tpu.dma_semaphore, #tpu.memory_space<semaphore_mem>>)
      %dma_wait3A = arith.constant 0 : i32
      %dma_wait3A_17 = arith.constant 0 : i32
      %dma_wait3A_18 = tpu.memref_slice %arg2[%dma_wait3A, %dma_wait3A_17] : memref<10000x128xf32, #tpu.memory_space<hbm>> -> memref<10000x128xf32, #tpu.memory_space<hbm>>
      tpu.wait_indirect_dma semaphore(%arg11 : memref<!tpu.dma_semaphore, #tpu.memory_space<semaphore_mem>>) src(%dma_wait3A_18 : memref<10000x128xf32, #tpu.memory_space<hbm>>) dst(%arg9 : memref<80x128xf32, #tpu.memory_space<vmem>>)
      %dma_wait3A_19 = arith.constant 0 : i32
      %dma_wait3A_20 = arith.constant 0 : i32
      %dma_wait3A_21 = tpu.memref_slice %arg3[%dma_wait3A_19, %dma_wait3A_20] : memref<10000x128xf32, #tpu.memory_space<hbm>> -> memref<10000x128xf32, #tpu.memory_space<hbm>>
      tpu.wait_indirect_dma semaphore(%arg12 : memref<!tpu.dma_semaphore, #tpu.memory_space<semaphore_mem>>) src(%dma_wait3A_21 : memref<10000x128xf32, #tpu.memory_space<hbm>>) dst(%arg10 : memref<80x128xf32, #tpu.memory_space<vmem>>)
      %scan3A_22 = arith.constant 0 : i32
      %scan3A_23 = arith.constant 0 : i32
      %scan3A_24 = arith.constant 80 : i32
      %scan3A_25 = arith.addi %scan3A_23, %scan3A_24 : i32
      %scan3A_26 = arith.constant 1 : i32
      scf.for %scan3A_28 = %scan3A_23 to %scan3A_25 step %scan3A_26  : i32 {
        %get3A = arith.index_cast %scan3A_28 : i32 to index
        %get3A_29 = arith.constant 0 : index
        %get3A_30 = tpu.vector_load %arg9[%get3A, %get3A_29] {strides = array<i32>} : memref<80x128xf32, #tpu.memory_space<vmem>>, vector<1x16xf32>,
        %get3A_31 = vector.shape_cast %get3A_30 : vector<1x16xf32> to vector<16xf32>
        %get3A_32 = arith.index_cast %scan3A_28 : i32 to index
        %get3A_33 = arith.constant 0 : index
        %get3A_34 = tpu.vector_load %arg10[%get3A_32, %get3A_33] {strides = array<i32>} : memref<80x128xf32, #tpu.memory_space<vmem>>, vector<1x16xf32>,
        %get3A_35 = vector.shape_cast %get3A_34 : vector<1x16xf32> to vector<16xf32>
        %add3A_36 = arith.addf %get3A_31, %get3A_35 : vector<16xf32>
        %swap3A = arith.index_cast %scan3A_28 : i32 to index
        %swap3A_37 = arith.constant 0 : index
        %swap3A_38 = tpu.vector_load %arg9[%swap3A, %swap3A_37] {strides = array<i32>} : memref<80x128xf32, #tpu.memory_space<vmem>>, vector<1x16xf32>,
        %swap3A_39 = vector.shape_cast %swap3A_38 : vector<1x16xf32> to vector<16xf32>
        %swap3A_40 = vector.shape_cast %add3A_36 : vector<16xf32> to vector<1x16xf32>
        tpu.vector_store %arg9[%swap3A, %swap3A_37], %swap3A_40 {strides = array<i32>} : memref<80x128xf32, #tpu.memory_space<vmem>>, vector<1x16xf32>,
        %get3A_41 = arith.index_cast %scan3A_28 : i32 to index
        %get3A_42 = arith.constant 16 : index
        %get3A_43 = tpu.vector_load %arg9[%get3A_41, %get3A_42] {strides = array<i32>} : memref<80x128xf32, #tpu.memory_space<vmem>>, vector<1x16xf32>,
        %get3A_44 = vector.shape_cast %get3A_43 : vector<1x16xf32> to vector<16xf32>
        %get3A_45 = arith.index_cast %scan3A_28 : i32 to index
        %get3A_46 = arith.constant 16 : index
        %get3A_47 = tpu.vector_load %arg10[%get3A_45, %get3A_46] {strides = array<i32>} : memref<80x128xf32, #tpu.memory_space<vmem>>, vector<1x16xf32>,
        %get3A_48 = vector.shape_cast %get3A_47 : vector<1x16xf32> to vector<16xf32>
        %add3A_49 = arith.addf %get3A_44, %get3A_48 : vector<16xf32>
        %swap3A_50 = arith.index_cast %scan3A_28 : i32 to index
        %swap3A_51 = arith.constant 16 : index
        %swap3A_52 = tpu.vector_load %arg9[%swap3A_50, %swap3A_51] {strides = array<i32>} : memref<80x128xf32, #tpu.memory_space<vmem>>, vector<1x16xf32>,
        %swap3A_53 = vector.shape_cast %swap3A_52 : vector<1x16xf32> to vector<16xf32>
        %swap3A_54 = vector.shape_cast %add3A_49 : vector<16xf32> to vector<1x16xf32>
        tpu.vector_store %arg9[%swap3A_50, %swap3A_51], %swap3A_54 {strides = array<i32>} : memref<80x128xf32, #tpu.memory_space<vmem>>, vector<1x16xf32>,
        %get3A_55 = arith.index_cast %scan3A_28 : i32 to index
        %get3A_56 = arith.constant 32 : index
        %get3A_57 = tpu.vector_load %arg9[%get3A_55, %get3A_56] {strides = array<i32>} : memref<80x128xf32, #tpu.memory_space<vmem>>, vector<1x16xf32>,
        %get3A_58 = vector.shape_cast %get3A_57 : vector<1x16xf32> to vector<16xf32>
        %get3A_59 = arith.index_cast %scan3A_28 : i32 to index
        %get3A_60 = arith.constant 32 : index
        %get3A_61 = tpu.vector_load %arg10[%get3A_59, %get3A_60] {strides = array<i32>} : memref<80x128xf32, #tpu.memory_space<vmem>>, vector<1x16xf32>,
        %get3A_62 = vector.shape_cast %get3A_61 : vector<1x16xf32> to vector<16xf32>
        %add3A_63 = arith.addf %get3A_58, %get3A_62 : vector<16xf32>
        %swap3A_64 = arith.index_cast %scan3A_28 : i32 to index
        %swap3A_65 = arith.constant 32 : index
        %swap3A_66 = tpu.vector_load %arg9[%swap3A_64, %swap3A_65] {strides = array<i32>} : memref<80x128xf32, #tpu.memory_space<vmem>>, vector<1x16xf32>,
        %swap3A_67 = vector.shape_cast %swap3A_66 : vector<1x16xf32> to vector<16xf32>
        %swap3A_68 = vector.shape_cast %add3A_63 : vector<16xf32> to vector<1x16xf32>
        tpu.vector_store %arg9[%swap3A_64, %swap3A_65], %swap3A_68 {strides = array<i32>} : memref<80x128xf32, #tpu.memory_space<vmem>>, vector<1x16xf32>,
        %get3A_69 = arith.index_cast %scan3A_28 : i32 to index
        %get3A_70 = arith.constant 48 : index
        %get3A_71 = tpu.vector_load %arg9[%get3A_69, %get3A_70] {strides = array<i32>} : memref<80x128xf32, #tpu.memory_space<vmem>>, vector<1x16xf32>,
        %get3A_72 = vector.shape_cast %get3A_71 : vector<1x16xf32> to vector<16xf32>
        %get3A_73 = arith.index_cast %scan3A_28 : i32 to index
        %get3A_74 = arith.constant 48 : index
        %get3A_75 = tpu.vector_load %arg10[%get3A_73, %get3A_74] {strides = array<i32>} : memref<80x128xf32, #tpu.memory_space<vmem>>, vector<1x16xf32>,
        %get3A_76 = vector.shape_cast %get3A_75 : vector<1x16xf32> to vector<16xf32>
        %add3A_77 = arith.addf %get3A_72, %get3A_76 : vector<16xf32>
        %swap3A_78 = arith.index_cast %scan3A_28 : i32 to index
        %swap3A_79 = arith.constant 48 : index
        %swap3A_80 = tpu.vector_load %arg9[%swap3A_78, %swap3A_79] {strides = array<i32>} : memref<80x128xf32, #tpu.memory_space<vmem>>, vector<1x16xf32>,
        %swap3A_81 = vector.shape_cast %swap3A_80 : vector<1x16xf32> to vector<16xf32>
        %swap3A_82 = vector.shape_cast %add3A_77 : vector<16xf32> to vector<1x16xf32>
        tpu.vector_store %arg9[%swap3A_78, %swap3A_79], %swap3A_82 {strides = array<i32>} : memref<80x128xf32, #tpu.memory_space<vmem>>, vector<1x16xf32>,
        %get3A_83 = arith.index_cast %scan3A_28 : i32 to index
        %get3A_84 = arith.constant 64 : index
        %get3A_85 = tpu.vector_load %arg9[%get3A_83, %get3A_84] {strides = array<i32>} : memref<80x128xf32, #tpu.memory_space<vmem>>, vector<1x16xf32>,
        %get3A_86 = vector.shape_cast %get3A_85 : vector<1x16xf32> to vector<16xf32>
        %get3A_87 = arith.index_cast %scan3A_28 : i32 to index
        %get3A_88 = arith.constant 64 : index
        %get3A_89 = tpu.vector_load %arg10[%get3A_87, %get3A_88] {strides = array<i32>} : memref<80x128xf32, #tpu.memory_space<vmem>>, vector<1x16xf32>,
        %get3A_90 = vector.shape_cast %get3A_89 : vector<1x16xf32> to vector<16xf32>
        %add3A_91 = arith.addf %get3A_86, %get3A_90 : vector<16xf32>
        %swap3A_92 = arith.index_cast %scan3A_28 : i32 to index
        %swap3A_93 = arith.constant 64 : index
        %swap3A_94 = tpu.vector_load %arg9[%swap3A_92, %swap3A_93] {strides = array<i32>} : memref<80x128xf32, #tpu.memory_space<vmem>>, vector<1x16xf32>,
        %swap3A_95 = vector.shape_cast %swap3A_94 : vector<1x16xf32> to vector<16xf32>
        %swap3A_96 = vector.shape_cast %add3A_91 : vector<16xf32> to vector<1x16xf32>
        tpu.vector_store %arg9[%swap3A_92, %swap3A_93], %swap3A_96 {strides = array<i32>} : memref<80x128xf32, #tpu.memory_space<vmem>>, vector<1x16xf32>,
        %get3A_97 = arith.index_cast %scan3A_28 : i32 to index
        %get3A_98 = arith.constant 80 : index
        %get3A_99 = tpu.vector_load %arg9[%get3A_97, %get3A_98] {strides = array<i32>} : memref<80x128xf32, #tpu.memory_space<vmem>>, vector<1x16xf32>,
        %get3A_100 = vector.shape_cast %get3A_99 : vector<1x16xf32> to vector<16xf32>
        %get3A_101 = arith.index_cast %scan3A_28 : i32 to index
        %get3A_102 = arith.constant 80 : index
        %get3A_103 = tpu.vector_load %arg10[%get3A_101, %get3A_102] {strides = array<i32>} : memref<80x128xf32, #tpu.memory_space<vmem>>, vector<1x16xf32>,
        %get3A_104 = vector.shape_cast %get3A_103 : vector<1x16xf32> to vector<16xf32>
        %add3A_105 = arith.addf %get3A_100, %get3A_104 : vector<16xf32>
        %swap3A_106 = arith.index_cast %scan3A_28 : i32 to index
        %swap3A_107 = arith.constant 80 : index
        %swap3A_108 = tpu.vector_load %arg9[%swap3A_106, %swap3A_107] {strides = array<i32>} : memref<80x128xf32, #tpu.memory_space<vmem>>, vector<1x16xf32>,
        %swap3A_109 = vector.shape_cast %swap3A_108 : vector<1x16xf32> to vector<16xf32>
        %swap3A_110 = vector.shape_cast %add3A_105 : vector<16xf32> to vector<1x16xf32>
        tpu.vector_store %arg9[%swap3A_106, %swap3A_107], %swap3A_110 {strides = array<i32>} : memref<80x128xf32, #tpu.memory_space<vmem>>, vector<1x16xf32>,
        %get3A_111 = arith.index_cast %scan3A_28 : i32 to index
        %get3A_112 = arith.constant 96 : index
        %get3A_113 = tpu.vector_load %arg9[%get3A_111, %get3A_112] {strides = array<i32>} : memref<80x128xf32, #tpu.memory_space<vmem>>, vector<1x16xf32>,
        %get3A_114 = vector.shape_cast %get3A_113 : vector<1x16xf32> to vector<16xf32>
        %get3A_115 = arith.index_cast %scan3A_28 : i32 to index
        %get3A_116 = arith.constant 96 : index
        %get3A_117 = tpu.vector_load %arg10[%get3A_115, %get3A_116] {strides = array<i32>} : memref<80x128xf32, #tpu.memory_space<vmem>>, vector<1x16xf32>,
        %get3A_118 = vector.shape_cast %get3A_117 : vector<1x16xf32> to vector<16xf32>
        %add3A_119 = arith.addf %get3A_114, %get3A_118 : vector<16xf32>
        %swap3A_120 = arith.index_cast %scan3A_28 : i32 to index
        %swap3A_121 = arith.constant 96 : index
        %swap3A_122 = tpu.vector_load %arg9[%swap3A_120, %swap3A_121] {strides = array<i32>} : memref<80x128xf32, #tpu.memory_space<vmem>>, vector<1x16xf32>,
        %swap3A_123 = vector.shape_cast %swap3A_122 : vector<1x16xf32> to vector<16xf32>
        %swap3A_124 = vector.shape_cast %add3A_119 : vector<16xf32> to vector<1x16xf32>
        tpu.vector_store %arg9[%swap3A_120, %swap3A_121], %swap3A_124 {strides = array<i32>} : memref<80x128xf32, #tpu.memory_space<vmem>>, vector<1x16xf32>,
        %get3A_125 = arith.index_cast %scan3A_28 : i32 to index
        %get3A_126 = arith.constant 112 : index
        %get3A_127 = tpu.vector_load %arg9[%get3A_125, %get3A_126] {strides = array<i32>} : memref<80x128xf32, #tpu.memory_space<vmem>>, vector<1x16xf32>,
        %get3A_128 = vector.shape_cast %get3A_127 : vector<1x16xf32> to vector<16xf32>
        %get3A_129 = arith.index_cast %scan3A_28 : i32 to index
        %get3A_130 = arith.constant 112 : index
        %get3A_131 = tpu.vector_load %arg10[%get3A_129, %get3A_130] {strides = array<i32>} : memref<80x128xf32, #tpu.memory_space<vmem>>, vector<1x16xf32>,
        %get3A_132 = vector.shape_cast %get3A_131 : vector<1x16xf32> to vector<16xf32>
        %add3A_133 = arith.addf %get3A_128, %get3A_132 : vector<16xf32>
        %swap3A_134 = arith.index_cast %scan3A_28 : i32 to index
        %swap3A_135 = arith.constant 112 : index
        %swap3A_136 = tpu.vector_load %arg9[%swap3A_134, %swap3A_135] {strides = array<i32>} : memref<80x128xf32, #tpu.memory_space<vmem>>, vector<1x16xf32>,
        %swap3A_137 = vector.shape_cast %swap3A_136 : vector<1x16xf32> to vector<16xf32>
        %swap3A_138 = vector.shape_cast %add3A_133 : vector<16xf32> to vector<1x16xf32>
        tpu.vector_store %arg9[%swap3A_134, %swap3A_135], %swap3A_138 {strides = array<i32>} : memref<80x128xf32, #tpu.memory_space<vmem>>, vector<1x16xf32>,
      }
      %scan3A_27 = arith.constant 80 : i32
      "tpu.region"() ({
        %run_scoped3A = tpu.sem_alloc : memref<!tpu.dma_semaphore, #tpu.memory_space<semaphore_mem>>
        %dma_start3A_28 = arith.constant 0 : i32
        %dma_start3A_29 = tpu.memref_slice %arg6[%multiple_of3A, %dma_start3A_28] : memref<320000x128xf32, #tpu.memory_space<hbm>> -> memref<80x128xf32, #tpu.memory_space<hbm>>
        %dma_start3A_30 = arith.constant 0 : i32
        %dma_start3A_31 = tpu.memref_slice %arg6[%multiple_of3A, %dma_start3A_30] : memref<320000x128xf32, #tpu.memory_space<hbm>> -> memref<80x128xf32, #tpu.memory_space<hbm>>
        tpu.enqueue_dma source(%arg9 : memref<80x128xf32, #tpu.memory_space<vmem>>) target(%dma_start3A_31 : memref<80x128xf32, #tpu.memory_space<hbm>>) target_semaphore(%run_scoped3A : memref<!tpu.dma_semaphore, #tpu.memory_space<semaphore_mem>>)
        %dma_wait3A_32 = arith.constant 0 : i32
        %dma_wait3A_33 = tpu.memref_slice %arg6[%multiple_of3A, %dma_wait3A_32] : memref<320000x128xf32, #tpu.memory_space<hbm>> -> memref<80x128xf32, #tpu.memory_space<hbm>>
        %dma_wait3A_34 = arith.constant 0 : i32
        %dma_wait3A_35 = tpu.memref_slice %arg6[%multiple_of3A, %dma_wait3A_34] : memref<320000x128xf32, #tpu.memory_space<hbm>> -> memref<80x128xf32, #tpu.memory_space<hbm>>
        tpu.wait_dma2 semaphore(%run_scoped3A : memref<!tpu.dma_semaphore, #tpu.memory_space<semaphore_mem>>) src(%arg9 : memref<80x128xf32, #tpu.memory_space<vmem>>) dst(%dma_wait3A_35 : memref<80x128xf32, #tpu.memory_space<hbm>>)
        tpu.yield
      }) : () -> ()
    }
    %scan3A_7 = arith.constant 125 : i32
    return
  }
}

module attributes {stable_mosaic.version = 14 : i64} {
  func.func @_pre_body(%arg0: i32, %arg1: memref<2000x128xf32, #tpu.memory_space<vmem>>, %arg2: memref<128x128xf32, #tpu.memory_space<vmem>>, %arg3: memref<128x128xf32, #tpu.memory_space<vmem>>, %arg4: memref<2000x128xf32, #tpu.memory_space<vmem>>, %arg5: memref<2000x128xf32, #tpu.memory_space<vmem>>) attributes {dimension_semantics = [#tpu.dimension_semantics<arbitrary>], iteration_bounds = array<i64: 5>, scalar_prefetch = 0 : i64, scratch_operands = 0 : i64, tpu.core_type = #tpu.core_type<tc>, window_params = [{transform_indices = @transform_0, window_bounds = array<i64: 2000, 128>}, {pipeline_mode = #tpu.pipeline_mode<synchronous>, transform_indices = @transform_1, window_bounds = array<i64: 128, 128>}, {pipeline_mode = #tpu.pipeline_mode<synchronous>, transform_indices = @transform_2, window_bounds = array<i64: 128, 128>}, {transform_indices = @transform_3, window_bounds = array<i64: 2000, 128>}, {transform_indices = @transform_4, window_bounds = array<i64: 2000, 128>}]} {
    %get3A = arith.constant 0 : index
    %get3A_0 = arith.constant 0 : index
    %get3A_1 = vector.load %arg1[%get3A, %get3A_0] : memref<2000x128xf32, #tpu.memory_space<vmem>>, vector<2000x128xf32>
    %get3A_2 = arith.constant 0 : index
    %get3A_3 = arith.constant 0 : index
    %get3A_4 = vector.load %arg2[%get3A_2, %get3A_3] : memref<128x128xf32, #tpu.memory_space<vmem>>, vector<128x128xf32>
    %dot_general3A = arith.constant dense<0.000000e+00> : vector<2000x128xf32>
    %dot_general3A_5 = tpu.matmul %get3A_1, %get3A_4, %dot_general3A {dimension_numbers = #tpu.dot_dimension_numbers<[1], [0], [0], [1], [0, 0, 1, 1], [], []>, transpose_lhs_hint = false} : vector<2000x128xf32>, vector<128x128xf32>, vector<2000x128xf32> -> vector<2000x128xf32>
    %swap3A = arith.constant 0 : index
    %swap3A_6 = arith.constant 0 : index
    %swap3A_7 = vector.load %arg4[%swap3A, %swap3A_6] : memref<2000x128xf32, #tpu.memory_space<vmem>>, vector<2000x128xf32>
    tpu.vector_store %arg4[%swap3A, %swap3A_6], %dot_general3A_5 {strides = array<i32>} : memref<2000x128xf32, #tpu.memory_space<vmem>>, vector<2000x128xf32>,
    %get3A_8 = arith.constant 0 : index
    %get3A_9 = arith.constant 0 : index
    %get3A_10 = vector.load %arg3[%get3A_8, %get3A_9] : memref<128x128xf32, #tpu.memory_space<vmem>>, vector<128x128xf32>
    %dot_general3A_11 = arith.constant dense<0.000000e+00> : vector<2000x128xf32>
    %dot_general3A_12 = tpu.matmul %get3A_1, %get3A_10, %dot_general3A_11 {dimension_numbers = #tpu.dot_dimension_numbers<[1], [0], [0], [1], [0, 0, 1, 1], [], []>, transpose_lhs_hint = false} : vector<2000x128xf32>, vector<128x128xf32>, vector<2000x128xf32> -> vector<2000x128xf32>
    %swap3A_13 = arith.constant 0 : index
    %swap3A_14 = arith.constant 0 : index
    %swap3A_15 = vector.load %arg5[%swap3A_13, %swap3A_14] : memref<2000x128xf32, #tpu.memory_space<vmem>>, vector<2000x128xf32>
    tpu.vector_store %arg5[%swap3A_13, %swap3A_14], %dot_general3A_12 {strides = array<i32>} : memref<2000x128xf32, #tpu.memory_space<vmem>>, vector<2000x128xf32>,
    return
  }
  func.func @transform_0(%arg0: i32) -> (i32, i32) {
    %c0_i32 = arith.constant 0 : i32
    %c0_i32_0 = arith.constant 0 : i32
    return %arg0, %c0_i32 : i32, i32
  }
  func.func @transform_1(%arg0: i32) -> (i32, i32) {
    %c0_i32 = arith.constant 0 : i32
    %c0_i32_0 = arith.constant 0 : i32
    %c0_i32_1 = arith.constant 0 : i32
    return %c0_i32, %c0_i32_0 : i32, i32
  }
  func.func @transform_2(%arg0: i32) -> (i32, i32) {
    %c0_i32 = arith.constant 0 : i32
    %c0_i32_0 = arith.constant 0 : i32
    %c0_i32_1 = arith.constant 0 : i32
    return %c0_i32, %c0_i32_0 : i32, i32
  }
  func.func @transform_3(%arg0: i32) -> (i32, i32) {
    %c0_i32 = arith.constant 0 : i32
    %c0_i32_0 = arith.constant 0 : i32
    return %arg0, %c0_i32 : i32, i32
  }
  func.func @transform_4(%arg0: i32) -> (i32, i32) {
    %c0_i32 = arith.constant 0 : i32
    %c0_i32_0 = arith.constant 0 : i32
    return %arg0, %c0_i32 : i32, i32
  }
}

module attributes {stable_mosaic.version = 14 : i64} {
  func.func @_edge_body(%arg0: i32, %arg1: memref<2560x128xf32, #tpu.memory_space<vmem>>, %arg2: memref<2560x128xf32, #tpu.memory_space<vmem>>, %arg3: memref<128x128xf32, #tpu.memory_space<vmem>>, %arg4: memref<1x128xf32, #tpu.memory_space<vmem>>, %arg5: memref<128x128xf32, #tpu.memory_space<vmem>>, %arg6: memref<1x128xf32, #tpu.memory_space<vmem>>, %arg7: memref<2560x128xf32, #tpu.memory_space<vmem>>) attributes {dimension_semantics = [#tpu.dimension_semantics<arbitrary>], iteration_bounds = array<i64: 125>, scalar_prefetch = 0 : i64, scratch_operands = 0 : i64, tpu.core_type = #tpu.core_type<tc>, window_params = [{transform_indices = @transform_0, window_bounds = array<i64: 2560, 128>}, {transform_indices = @transform_1, window_bounds = array<i64: 2560, 128>}, {pipeline_mode = #tpu.pipeline_mode<synchronous>, transform_indices = @transform_2, window_bounds = array<i64: 128, 128>}, {pipeline_mode = #tpu.pipeline_mode<synchronous>, transform_indices = @transform_3, window_bounds = array<i64: 1, 128>}, {pipeline_mode = #tpu.pipeline_mode<synchronous>, transform_indices = @transform_4, window_bounds = array<i64: 128, 128>}, {pipeline_mode = #tpu.pipeline_mode<synchronous>, transform_indices = @transform_5, window_bounds = array<i64: 1, 128>}, {transform_indices = @transform_6, window_bounds = array<i64: 2560, 128>}]} {
    %get3A = arith.constant 0 : index
    %get3A_0 = arith.constant 0 : index
    %get3A_1 = vector.load %arg1[%get3A, %get3A_0] : memref<2560x128xf32, #tpu.memory_space<vmem>>, vector<2560x128xf32>
    %get3A_2 = arith.constant 0 : index
    %get3A_3 = arith.constant 0 : index
    %get3A_4 = vector.load %arg3[%get3A_2, %get3A_3] : memref<128x128xf32, #tpu.memory_space<vmem>>, vector<128x128xf32>
    %dot_general3A = arith.constant dense<0.000000e+00> : vector<2560x128xf32>
    %dot_general3A_5 = tpu.matmul %get3A_1, %get3A_4, %dot_general3A {dimension_numbers = #tpu.dot_dimension_numbers<[1], [0], [0], [1], [0, 0, 1, 1], [], []>, transpose_lhs_hint = false} : vector<2560x128xf32>, vector<128x128xf32>, vector<2560x128xf32> -> vector<2560x128xf32>
    %get3A_6 = arith.constant 0 : index
    %get3A_7 = arith.constant 0 : index
    %get3A_8 = vector.load %arg2[%get3A_6, %get3A_7] : memref<2560x128xf32, #tpu.memory_space<vmem>>, vector<2560x128xf32>
    %add3A = arith.addf %dot_general3A_5, %get3A_8 : vector<2560x128xf32>
    %get3A_9 = arith.constant 0 : index
    %get3A_10 = arith.constant 0 : index
    %get3A_11 = vector.load %arg4[%get3A_9, %get3A_10] : memref<1x128xf32, #tpu.memory_space<vmem>>, vector<1x128xf32>
    %add3A_12 = vector.broadcast %get3A_11 : vector<1x128xf32> to vector<2560x128xf32>
    %add3A_13 = arith.addf %add3A, %add3A_12 : vector<2560x128xf32>
    %max3A = arith.constant 0.000000e+00 : f32
    %max3A_14 = vector.broadcast %max3A : f32 to vector<2560x128xf32>
    %max3A_15 = arith.maximumf %add3A_13, %max3A_14 : vector<2560x128xf32>
    %get3A_16 = arith.constant 0 : index
    %get3A_17 = arith.constant 0 : index
    %get3A_18 = vector.load %arg5[%get3A_16, %get3A_17] : memref<128x128xf32, #tpu.memory_space<vmem>>, vector<128x128xf32>
    %dot_general3A_19 = arith.constant dense<0.000000e+00> : vector<2560x128xf32>
    %dot_general3A_20 = tpu.matmul %max3A_15, %get3A_18, %dot_general3A_19 {dimension_numbers = #tpu.dot_dimension_numbers<[1], [0], [0], [1], [0, 0, 1, 1], [], []>, transpose_lhs_hint = false} : vector<2560x128xf32>, vector<128x128xf32>, vector<2560x128xf32> -> vector<2560x128xf32>
    %add3A_21 = arith.addf %get3A_1, %dot_general3A_20 : vector<2560x128xf32>
    %get3A_22 = arith.constant 0 : index
    %get3A_23 = arith.constant 0 : index
    %get3A_24 = vector.load %arg6[%get3A_22, %get3A_23] : memref<1x128xf32, #tpu.memory_space<vmem>>, vector<1x128xf32>
    %add3A_25 = vector.broadcast %get3A_24 : vector<1x128xf32> to vector<2560x128xf32>
    %add3A_26 = arith.addf %add3A_21, %add3A_25 : vector<2560x128xf32>
    %swap3A = arith.constant 0 : index
    %swap3A_27 = arith.constant 0 : index
    %swap3A_28 = vector.load %arg7[%swap3A, %swap3A_27] : memref<2560x128xf32, #tpu.memory_space<vmem>>, vector<2560x128xf32>
    tpu.vector_store %arg7[%swap3A, %swap3A_27], %add3A_26 {strides = array<i32>} : memref<2560x128xf32, #tpu.memory_space<vmem>>, vector<2560x128xf32>,
    return
  }
  func.func @transform_0(%arg0: i32) -> (i32, i32) {
    %c0_i32 = arith.constant 0 : i32
    %c0_i32_0 = arith.constant 0 : i32
    return %arg0, %c0_i32 : i32, i32
  }
  func.func @transform_1(%arg0: i32) -> (i32, i32) {
    %c0_i32 = arith.constant 0 : i32
    %c0_i32_0 = arith.constant 0 : i32
    return %arg0, %c0_i32 : i32, i32
  }
  func.func @transform_2(%arg0: i32) -> (i32, i32) {
    %c0_i32 = arith.constant 0 : i32
    %c0_i32_0 = arith.constant 0 : i32
    %c0_i32_1 = arith.constant 0 : i32
    return %c0_i32, %c0_i32_0 : i32, i32
  }
  func.func @transform_3(%arg0: i32) -> (i32, i32) {
    %c0_i32 = arith.constant 0 : i32
    %c0_i32_0 = arith.constant 0 : i32
    %c0_i32_1 = arith.constant 0 : i32
    return %c0_i32, %c0_i32_0 : i32, i32
  }
  func.func @transform_4(%arg0: i32) -> (i32, i32) {
    %c0_i32 = arith.constant 0 : i32
    %c0_i32_0 = arith.constant 0 : i32
    %c0_i32_1 = arith.constant 0 : i32
    return %c0_i32, %c0_i32_0 : i32, i32
  }
  func.func @transform_5(%arg0: i32) -> (i32, i32) {
    %c0_i32 = arith.constant 0 : i32
    %c0_i32_0 = arith.constant 0 : i32
    %c0_i32_1 = arith.constant 0 : i32
    return %c0_i32, %c0_i32_0 : i32, i32
  }
  func.func @transform_6(%arg0: i32) -> (i32, i32) {
    %c0_i32 = arith.constant 0 : i32
    %c0_i32_0 = arith.constant 0 : i32
    return %arg0, %c0_i32 : i32, i32
  }
}

module attributes {stable_mosaic.version = 14 : i64} {
  func.func @_node_body(%arg0: i32, %arg1: memref<2000x128xf32, #tpu.memory_space<vmem>>, %arg2: memref<2000x128xf32, #tpu.memory_space<vmem>>, %arg3: memref<2000x128xf32, #tpu.memory_space<vmem>>, %arg4: memref<128x128xf32, #tpu.memory_space<vmem>>, %arg5: memref<128x128xf32, #tpu.memory_space<vmem>>, %arg6: memref<1x128xf32, #tpu.memory_space<vmem>>, %arg7: memref<128x128xf32, #tpu.memory_space<vmem>>, %arg8: memref<1x128xf32, #tpu.memory_space<vmem>>, %arg9: memref<2000x128xf32, #tpu.memory_space<vmem>>) attributes {dimension_semantics = [#tpu.dimension_semantics<arbitrary>], iteration_bounds = array<i64: 5>, scalar_prefetch = 0 : i64, scratch_operands = 0 : i64, tpu.core_type = #tpu.core_type<tc>, window_params = [{transform_indices = @transform_0, window_bounds = array<i64: 2000, 128>}, {transform_indices = @transform_1, window_bounds = array<i64: 2000, 128>}, {transform_indices = @transform_2, window_bounds = array<i64: 2000, 128>}, {pipeline_mode = #tpu.pipeline_mode<synchronous>, transform_indices = @transform_3, window_bounds = array<i64: 128, 128>}, {pipeline_mode = #tpu.pipeline_mode<synchronous>, transform_indices = @transform_4, window_bounds = array<i64: 128, 128>}, {pipeline_mode = #tpu.pipeline_mode<synchronous>, transform_indices = @transform_5, window_bounds = array<i64: 1, 128>}, {pipeline_mode = #tpu.pipeline_mode<synchronous>, transform_indices = @transform_6, window_bounds = array<i64: 128, 128>}, {pipeline_mode = #tpu.pipeline_mode<synchronous>, transform_indices = @transform_7, window_bounds = array<i64: 1, 128>}, {transform_indices = @transform_8, window_bounds = array<i64: 2000, 128>}]} {
    %get3A = arith.constant 0 : index
    %get3A_0 = arith.constant 0 : index
    %get3A_1 = vector.load %arg1[%get3A, %get3A_0] : memref<2000x128xf32, #tpu.memory_space<vmem>>, vector<2000x128xf32>
    %get3A_2 = arith.constant 0 : index
    %get3A_3 = arith.constant 0 : index
    %get3A_4 = vector.load %arg2[%get3A_2, %get3A_3] : memref<2000x128xf32, #tpu.memory_space<vmem>>, vector<2000x128xf32>
    %get3A_5 = arith.constant 0 : index
    %get3A_6 = arith.constant 0 : index
    %get3A_7 = vector.load %arg3[%get3A_5, %get3A_6] : memref<2000x128xf32, #tpu.memory_space<vmem>>, vector<2000x128xf32>
    %add3A = arith.addf %get3A_4, %get3A_7 : vector<2000x128xf32>
    %get3A_8 = arith.constant 0 : index
    %get3A_9 = arith.constant 0 : index
    %get3A_10 = vector.load %arg4[%get3A_8, %get3A_9] : memref<128x128xf32, #tpu.memory_space<vmem>>, vector<128x128xf32>
    %dot_general3A = arith.constant dense<0.000000e+00> : vector<2000x128xf32>
    %dot_general3A_11 = tpu.matmul %get3A_1, %get3A_10, %dot_general3A {dimension_numbers = #tpu.dot_dimension_numbers<[1], [0], [0], [1], [0, 0, 1, 1], [], []>, transpose_lhs_hint = false} : vector<2000x128xf32>, vector<128x128xf32>, vector<2000x128xf32> -> vector<2000x128xf32>
    %get3A_12 = arith.constant 0 : index
    %get3A_13 = arith.constant 0 : index
    %get3A_14 = vector.load %arg5[%get3A_12, %get3A_13] : memref<128x128xf32, #tpu.memory_space<vmem>>, vector<128x128xf32>
    %dot_general3A_15 = arith.constant dense<0.000000e+00> : vector<2000x128xf32>
    %dot_general3A_16 = tpu.matmul %add3A, %get3A_14, %dot_general3A_15 {dimension_numbers = #tpu.dot_dimension_numbers<[1], [0], [0], [1], [0, 0, 1, 1], [], []>, transpose_lhs_hint = false} : vector<2000x128xf32>, vector<128x128xf32>, vector<2000x128xf32> -> vector<2000x128xf32>
    %add3A_17 = arith.addf %dot_general3A_11, %dot_general3A_16 : vector<2000x128xf32>
    %get3A_18 = arith.constant 0 : index
    %get3A_19 = arith.constant 0 : index
    %get3A_20 = vector.load %arg6[%get3A_18, %get3A_19] : memref<1x128xf32, #tpu.memory_space<vmem>>, vector<1x128xf32>
    %add3A_21 = vector.broadcast %get3A_20 : vector<1x128xf32> to vector<2000x128xf32>
    %add3A_22 = arith.addf %add3A_17, %add3A_21 : vector<2000x128xf32>
    %max3A = arith.constant 0.000000e+00 : f32
    %max3A_23 = vector.broadcast %max3A : f32 to vector<2000x128xf32>
    %max3A_24 = arith.maximumf %add3A_22, %max3A_23 : vector<2000x128xf32>
    %get3A_25 = arith.constant 0 : index
    %get3A_26 = arith.constant 0 : index
    %get3A_27 = vector.load %arg7[%get3A_25, %get3A_26] : memref<128x128xf32, #tpu.memory_space<vmem>>, vector<128x128xf32>
    %dot_general3A_28 = arith.constant dense<0.000000e+00> : vector<2000x128xf32>
    %dot_general3A_29 = tpu.matmul %max3A_24, %get3A_27, %dot_general3A_28 {dimension_numbers = #tpu.dot_dimension_numbers<[1], [0], [0], [1], [0, 0, 1, 1], [], []>, transpose_lhs_hint = false} : vector<2000x128xf32>, vector<128x128xf32>, vector<2000x128xf32> -> vector<2000x128xf32>
    %add3A_30 = arith.addf %get3A_1, %dot_general3A_29 : vector<2000x128xf32>
    %get3A_31 = arith.constant 0 : index
    %get3A_32 = arith.constant 0 : index
    %get3A_33 = vector.load %arg8[%get3A_31, %get3A_32] : memref<1x128xf32, #tpu.memory_space<vmem>>, vector<1x128xf32>
    %add3A_34 = vector.broadcast %get3A_33 : vector<1x128xf32> to vector<2000x128xf32>
    %add3A_35 = arith.addf %add3A_30, %add3A_34 : vector<2000x128xf32>
    %swap3A = arith.constant 0 : index
    %swap3A_36 = arith.constant 0 : index
    %swap3A_37 = vector.load %arg9[%swap3A, %swap3A_36] : memref<2000x128xf32, #tpu.memory_space<vmem>>, vector<2000x128xf32>
    tpu.vector_store %arg9[%swap3A, %swap3A_36], %add3A_35 {strides = array<i32>} : memref<2000x128xf32, #tpu.memory_space<vmem>>, vector<2000x128xf32>,
    return
  }
  func.func @transform_0(%arg0: i32) -> (i32, i32) {
    %c0_i32 = arith.constant 0 : i32
    %c0_i32_0 = arith.constant 0 : i32
    return %arg0, %c0_i32 : i32, i32
  }
  func.func @transform_1(%arg0: i32) -> (i32, i32) {
    %c0_i32 = arith.constant 0 : i32
    %c0_i32_0 = arith.constant 0 : i32
    return %arg0, %c0_i32 : i32, i32
  }
  func.func @transform_2(%arg0: i32) -> (i32, i32) {
    %c0_i32 = arith.constant 0 : i32
    %c0_i32_0 = arith.constant 0 : i32
    return %arg0, %c0_i32 : i32, i32
  }
  func.func @transform_3(%arg0: i32) -> (i32, i32) {
    %c0_i32 = arith.constant 0 : i32
    %c0_i32_0 = arith.constant 0 : i32
    %c0_i32_1 = arith.constant 0 : i32
    return %c0_i32, %c0_i32_0 : i32, i32
  }
  func.func @transform_4(%arg0: i32) -> (i32, i32) {
    %c0_i32 = arith.constant 0 : i32
    %c0_i32_0 = arith.constant 0 : i32
    %c0_i32_1 = arith.constant 0 : i32
    return %c0_i32, %c0_i32_0 : i32, i32
  }
  func.func @transform_5(%arg0: i32) -> (i32, i32) {
    %c0_i32 = arith.constant 0 : i32
    %c0_i32_0 = arith.constant 0 : i32
    %c0_i32_1 = arith.constant 0 : i32
    return %c0_i32, %c0_i32_0 : i32, i32
  }
  func.func @transform_6(%arg0: i32) -> (i32, i32) {
    %c0_i32 = arith.constant 0 : i32
    %c0_i32_0 = arith.constant 0 : i32
    %c0_i32_1 = arith.constant 0 : i32
    return %c0_i32, %c0_i32_0 : i32, i32
  }
  func.func @transform_7(%arg0: i32) -> (i32, i32) {
    %c0_i32 = arith.constant 0 : i32
    %c0_i32_0 = arith.constant 0 : i32
    %c0_i32_1 = arith.constant 0 : i32
    return %c0_i32, %c0_i32_0 : i32, i32
  }
  func.func @transform_8(%arg0: i32) -> (i32, i32) {
    %c0_i32 = arith.constant 0 : i32
    %c0_i32_0 = arith.constant 0 : i32
    return %arg0, %c0_i32 : i32, i32
  }
}

</mosaic_0001>

<sc_bundles>
// kernel: kernel.10.cloned.1.call-start
scs
__scs_entry_jumppad:
0x0: {  	(pc) =	sbr.rel $0x88, $3  }
0x1: {  	(tag) =	ssettag $0x0;
	lr =	simm.s32 $0x1  }
0x2: {  	[smem:$0x3F95] =	sst lr;
	_ =	strace $0xD0000000  }
0x3: {  	_ = 	snop  }
0x4: {  	_ = 	snop  }
0x5: {  	_ = 	snop  }
0x6: {  	_ = 	snop  }
0x7: {  	_ = 	snop  }
__scs_overlays_trampoline_lowered:
0x8: {  	[smem:$0x3FA4] =	sst s0  }
0x9: {  	[smem:$0x3FA5] =	sst s1  }
0xa: {  	[smem:$0x3FA6] =	sst s2  }
0xb: {  	[smem:$0x3FA7] =	sst s3  }
0xc: {  	[smem:$0x3FA8] =	sst s4  }
0xd: {  	[smem:$0x3FA9] =	sst s5  }
0xe: {  	[smem:$0x3FAA] =	sst s6  }
0xf: {  	[smem:$0x3FAB] =	sst s7  }
0x10: {  	[smem:$0x3FAC] =	sst s8  }
0x11: {  	[smem:$0x3FAD] =	sst s9;
	s0 =	simm.s32 @!p0 $0x0  }
0x12: {  	s1 =	sld [smem:$0x3F93];
	s0 =	simm.s32 @p0 $0x1  }
0x13: {  	[smem:$0x3FAE] =	sst s0;
	s0 =	simm.s32 @!p1 $0x0  }
0x14: {  	s2 =	sld [smem:$0x3F92];
	s0 =	simm.s32 @p1 $0x1  }
0x15: {  	[smem:$0x3FAF] =	sst s0;
	s0 =	simm.s32 @!p2 $0x0  }
0x16: {  	s3 =	sld [smem:$0x3FDB];
	s0 =	simm.s32 @p2 $0x1  }
0x17: {  	s4 =	simm.s32 $0x1BF5;
	[smem:$0x3FB1] =	sst s0  }
0x18: {  	s0 =	sld [smem:$0x3F94];
	_ =	swait.ge [sflag:s4], $0x0  }
0x19: {  	s7 =	sld [smem:$0x3F95]  }
0x1a: {  	s8 =	sadd.s32 $0xFFFFE003, lr  }
0x1b: {  	s9 =	sadd.s32 $0xFFFFFEF7, lr;
	s5 =	simm.s32 $0xFFFFFFFF;
	p2 =	slt.u32 s8, $0xFFFFF086  }
0x1c: {  	p1 =	slt.u32 s9, $0xF7A;
	s5 =	simm.s32 @!p2 $0x0  }
0x1d: {  	s5 =	simm.s32 @p1 $0x1;
	p0 =	seq.s32 s7, s2  }
0x1e: {  	s7 =	smul.u32 @!p0 $0xF7A, s2;
	p2 =	seq.s32 @!p0 s5, $0x0  }
0x1f: {  	s9 =	smul.u32 $0xF7A, s1;
	s8 =	simm.s32 @!p0 $0x1BF5;
	p2 =	por !p2, p0  }
0x20: {  	[sflag:s8] =	ssyncset.s32 @!p0 $0xFFFFF086;
	s6 =	sadd.s32 @!p0 s3, s7;
	s7 =	simm.s32 @!p0 $0x108  }
0x21: {  	s3 =	sadd.s32 s3, s9;
	s6 =	sadd.s32 @!p0 $0x88, s6;
	s7 =	simm.s32 @p2 $0x1082  }
0x22: {  	[simem:s7], [sflag:s8] =	dma.local @!p0 [hbm:s6], $0xF7A  }
0x23: {  	s9 =	sor.u32 $0xD0000000, s2;
	s6 =	simm.s32 $0x108;
	_ =	swait.ge @!p0 [sflag:s8], $0x0  }
0x24: {  	s3 =	sadd.s32 $0x88, s3;
	s6 =	simm.s32 @!p1 $0x1082;
	[sflag:s4] =	ssyncset.s32 $0xFFFFF086  }
0x25: {  	[simem:s6], [sflag:s4] =	dma.local [hbm:s3], $0xF7A  }
0x26: {  	[smem:$0x3F95] =	sst s1;
	(tag) =	ssettag s2;
	_ =	strace s9  }
0x27: {  	s1 =	sld [smem:$0x3FA5]  }
0x28: {  	s2 =	sld [smem:$0x3FA6]  }
0x29: {  	s4 =	sld [smem:$0x3FA8]  }
0x2a: {  	p0 =	seq.s32 s5, $0x0;
	s5 =	sld [smem:$0x3FA9]  }
0x2b: {  	s6 =	sld [smem:$0x3FAA]  }
0x2c: {  	s7 =	sld [smem:$0x3FAB]  }
0x2d: {  	s3 =	simm.s32 $0x108;
	s8 =	sld [smem:$0x3FAC]  }
0x2e: {  	s3 =	simm.s32 @!p0 $0x1082;
	s9 =	sld [smem:$0x3FAD]  }
0x2f: {  	lr =	sadd.s32 s0, s3;
	s0 =	sld [smem:$0x3FA4]  }
0x30: {  	s3 =	sld [smem:$0x3FA7]  }
0x31: {  	[smem:$0x3FB0] =	sst s10  }
0x32: {  	s10 =	sld [smem:$0x3FAE];
	_ =	sdelay $0x3  }
0x33: {  	p0 =	seq.s32 s10, $0x1;
	s10 =	sld [smem:$0x3FB0];
	_ =	sdelay $0x3  }
0x34: {  	[smem:$0x3FB0] =	sst s10  }
0x35: {  	s10 =	sld [smem:$0x3FAF];
	_ =	sdelay $0x3  }
0x36: {  	p1 =	seq.s32 s10, $0x1;
	s10 =	sld [smem:$0x3FB0];
	_ =	sdelay $0x3  }
0x37: {  	[smem:$0x3FB0] =	sst s10  }
0x38: {  	s10 =	sld [smem:$0x3FB1]  }
0x39: {  	_ = 	snop;
	(pc) =	sbr.ind lr, $3  }
0x3a: {  	_ = 	snop  }
0x3b: {  	_ = 	snop  }
0x3c: {  	p2 =	seq.s32 s10, $0x1;
	s10 =	sld [smem:$0x3FB0]  }
0x3d: {  	_ =	shalt  }
0x3e: {  	_ =	shalt  }
0x3f: {  	_ =	shalt  }
0x40: {  	_ =	shalt  }
0x41: {  	_ =	shalt  }
0x42: {  	_ =	shalt  }
0x43: {  	_ =	shalt  }
0x44: {  	_ =	shalt  }
0x45: {  	_ =	shalt  }
0x46: {  	_ =	shalt  }
0x47: {  	_ =	shalt  }
0x48: {  	_ =	shalt  }
0x49: {  	_ =	shalt  }
0x4a: {  	_ =	shalt  }
0x4b: {  	_ =	shalt  }
0x4c: {  	_ =	shalt  }
0x4d: {  	_ =	shalt  }
0x4e: {  	_ =	shalt  }
0x4f: {  	_ =	shalt  }
0x50: {  	_ =	shalt  }
0x51: {  	_ =	shalt  }
0x52: {  	_ =	shalt  }
0x53: {  	_ =	shalt  }
0x54: {  	_ =	shalt  }
0x55: {  	_ =	shalt  }
0x56: {  	_ =	shalt  }
0x57: {  	_ =	shalt  }
0x58: {  	_ =	shalt  }
0x59: {  	_ =	shalt  }
0x5a: {  	_ =	shalt  }
0x5b: {  	_ =	shalt  }
0x5c: {  	_ =	shalt  }
0x5d: {  	_ =	shalt  }
0x5e: {  	_ =	shalt  }
0x5f: {  	_ =	shalt  }
0x60: {  	_ =	shalt  }
0x61: {  	_ =	shalt  }
0x62: {  	_ =	shalt  }
0x63: {  	_ =	shalt  }
0x64: {  	_ =	shalt  }
0x65: {  	_ =	shalt  }
0x66: {  	_ =	shalt  }
0x67: {  	_ =	shalt  }
0x68: {  	_ =	shalt  }
0x69: {  	_ =	shalt  }
0x6a: {  	_ =	shalt  }
0x6b: {  	_ =	shalt  }
0x6c: {  	_ =	shalt  }
0x6d: {  	_ =	shalt  }
0x6e: {  	_ =	shalt  }
0x6f: {  	_ =	shalt  }
0x70: {  	_ =	shalt  }
0x71: {  	_ =	shalt  }
0x72: {  	_ =	shalt  }
0x73: {  	_ =	shalt  }
0x74: {  	_ =	shalt  }
0x75: {  	_ =	shalt  }
0x76: {  	_ =	shalt  }
0x77: {  	_ =	shalt  }
0x78: {  	_ =	shalt  }
0x79: {  	_ =	shalt  }
0x7a: {  	_ =	shalt  }
0x7b: {  	_ =	shalt  }
0x7c: {  	_ =	shalt  }
0x7d: {  	_ =	shalt  }
0x7e: {  	_ =	shalt  }
0x7f: {  	_ =	shalt  }
0x80: {  	_ =	shalt  }
0x81: {  	_ =	shalt  }
0x82: {  	_ =	shalt  }
0x83: {  	_ =	shalt  }
0x84: {  	_ =	shalt  }
0x85: {  	_ =	shalt  }
0x86: {  	_ =	shalt  }
0x87: {  	_ =	shalt  }
.Lfunc_end0:
.L_simem_size_0:
called_computation.1_lowered:
.L_overlay_start_0:
0x88: {  	s2 =	sld [smem:$0x3FD9]  }
0x89: {  	s3 =	sld [smem:$0x3FFE];
	_ =	sdelay $0x1  }
0x8a: {  	s1 =	srdreg.scid  }
0x8b: {  	s0 =	sand.u32 $0x1, s1  }
0x8c: {  	s14 =	sshll.u32 s0, $0xA;
	s2 =	sadd.s32 s3, s2  }
0x8d: {  	s2 =	sadd.s32 s2, s14  }
0x8e: {  	[smem:$0x3FBC] =	sst s2  }
0x8f: {  	_ = 	snop  }
0x90: {  	s2 =	sld [smem:$0x3FD0];
	_ =	sdelay $0x2  }
0x91: {  	s4 =	simm.s32 $0xA;
	s5 =	simm.s32 $0x10;
	s15 =	sld [smem:$0x3FBE]  }
0x92: {  	[smem:s5], [sflag:s4] =	dma.local [hbm:s2], $0x1  }
0x93: {  	_ =	swait.eq [sflag:s4], $0x1  }
0x94: {  	[sflag:s4] =	ssyncset.done $0x0  }
0x95: {  	s16 =	sld [smem:$0x10];
	[sflag:s4] =	ssyncadd.s32 $0xFFFFFFFF  }
0x96: {  	s17 =	sld [smem:$0x11];
	(tm) =	ssettm $0x1  }
0x97: {  	s18 =	sld [smem:$0x3FFB];
	_ =	sdelay $0x3  }
0x98: {  	_ =	strace s18  }
0x99: {  	s5 =	sld [smem:$0x3FFC];
	_ =	sdelay $0x3  }
0x9a: {  	_ =	strace s5  }
0x9b: {  	s5 =	sld [smem:$0x3FFD];
	_ =	sdelay $0x3  }
0x9c: {  	_ =	strace s5  }
0x9d: {  	_ =	strace $0x8FFFFFFF  }
0x9e: {  	s19 =	sld [smem:$0x3FDB];
	_ =	sdelay $0x1  }
0x9f: {  	s6 =	simm.s32 $_scs_section_size  }
0xa0: {  	s7 =	simm.s32 $_size__tile_overlayer_lowered;
	s8 =	simm.s32 $_tile_overlayer_lowered  }
0xa1: {  	s22 =	simm.s32 $0x1BFF;
	s21 =	sshll.u32 s8, $0x1;
	s5 =	sadd.s32 s6, s19  }
0xa2: {  	s9 =	simm.s32 $0x0;
	s20 =	sshll.u32 s7, $0x1;
	s7 =	sadd.s32 s21, s5  }
0xa3: {  	[timem:s9], [sflag:s22] =	dma.local [hbm:s7], s20  }
0xa4: {  	_ =	swait.ge [sflag:s22], s20  }
0xa5: {  	s6 =	ssub.s32 $0x0, s20;
	[sflag:s22] =	ssyncset.done $0x0  }
0xa6: {  	[sflag:s22] =	ssyncadd.s32 s6;
	_ =	sdelay $0x1  }
0xa7: {  	s23 =	simm.s32 $0x1B8B  }
0xa8: {  	_ =	swait.ge [sflag:s23], $0x1  }
0xa9: {  	[sflag:s23] =	ssyncset.done $0x0  }
0xaa: {  	s25 =	simm.s32 $0x1B8E;
	s24 =	sld [smem:$0x3FFE];
	[sflag:s23] =	ssyncadd.s32 $0xFFFFFFFF  }
0xab: {  	s26 =	simm.s32 $execute0_lowered;
	[smem:$0x3FD2] =	sst s25  }
0xac: {  	s7 =	sshll.u32 s26, $0x1;
	_ =	strace $0x80000049;
	[dreg:$0x1] =	wrdreg $0xFFFFFFFF  }
0xad: {  	s28 =	simm.s32 $_size_execute0_lowered;
	s5 =	sadd.s32 s5, s7;
	[dreg:$0x0] =	wrdreg $0x0  }
0xae: {  	s7 =	sshll.u32 s28, $0x1;
	[dreg:$0x2] =	wrdreg s5  }
0xaf: {  	[dreg:$0x3] =	wrdreg s7  }
0xb0: {  	[dreg:$0x4] =	wrdreg $0xC0  }
0xb1: {  	_ =	task [dreg:s9], $0x5FFFF  }
0xb2: {  	[dreg:$0x1] =	wrdreg $0xFFFFFFFF  }
0xb3: {  	[dreg:$0x0] =	wrdreg $0x60  }
0xb4: {  	[dreg:$0x2] =	wrdreg s17  }
0xb5: {  	[dreg:$0x3] =	wrdreg s15  }
0xb6: {  	[dreg:$0x4] =	wrdreg s16  }
0xb7: {  	[dreg:$0x5] =	wrdreg s24  }
0xb8: {  	[dreg:$0x6] =	wrdreg $0x0  }
0xb9: {  	[dreg:$0x7] =	wrdreg $0x9  }
0xba: {  	_ =	task.clear_ibuf [dreg:s9], $0x8FFFF;
	_ =	strace $0x90000049  }
0xbb: {  	s29 =	simm.s32 $0x9;
	_ =	strace $0x8000004B  }
0xbc: {  	_ =	swait.ge [sflag:s29], $0x1  }
0xbd: {  	[sflag:s29] =	ssyncadd.s32 $0xFFFFFFFF  }
0xbe: {  	_ =	strace $0x9000004B  }
0xbf: {  	_ =	sfence  }
0xc0: {  	s30 =	sld [smem:$0x0];
	_ =	sdelay $0x2  }
0xc1: {  	s31 =	sshll.u32 s1, $0xD;
	s1 =	sshrl.u32 s1, $0x2  }
0xc2: {  	s3 =	sand.u32 $0x4000, s31;
	s1 =	sadd.s32 s1, s30  }
0xc3: {  	s0 =	sor.u32 s3, s0;
	s1 =	sshll.u32 s1, $0x11  }
0xc4: {  	s0 =	sor.u32 s1, s0  }
0xc5: {  	s0 =	sadd.s32 $0x8F2B, s0  }
0xc6: {  	[sflag:s0] =	ssyncadd.remote.s32 $0x1  }
0xc7: {  	_ =	sfence.sel $0xFFFF  }
0xc8: {  	[dreg:$0x0] =	wrdreg $0xFFFFFFFF;
	(pc) =	sbr.abs _section_cstart, $3  }
0xc9: {  	[dreg:$0x1] =	wrdreg $0xFFFFFFFF  }
0xca: {  	_ =	task.clear_ibuf [dreg:s9], $0x2FFFF;
	_ =	strace $0x9FFFFFFF  }
0xcb: {  	(tm) =	ssettm $0x7FFFFFFF  }
tec
execute0_lowered:
.L_overlay_start_1:
0x0: {  	(tag) =	ssettag $0x1  }
0x1: {  	s3 =	rddreg [dreg:$0x3]  }
0x2: {  	s17 =	sadd.s32 $0x2E00, s3;
	s3 =	stileid.u32  }
0x3: {  	s15 =	rddreg [dreg:$0x0];
	s30 =	smul.u32 $0x19000, s3  }
0x4: {  	s18 =	rddreg [dreg:$0x1];
	s11 =	smul.u32 $0xC80, s3  }
0x5: {  	s4 =	srdreg.scid;
	s21 =	smul.u32 $0x4E200, s3  }
0x6: {  	s16 =	rddreg [dreg:$0x2];
	s24 =	sand.u32 $0x1, s4;
	s22 =	smul.u32 $0x4E20, s3  }
0x7: {  	s1 =	rddreg [dreg:$0x4];
	s23 =	smul.u32 $0x2710, s24  }
0x8: {  	s0 =	rddreg [dreg:$0x5];
	s8 =	sor.u32 $0x10, s3;
	s25 =	smul.u32 $0x27100, s24  }
0x9: {  	s2 =	simm.s32 $0x0;
	s9 =	sor.u32 $0x20, s3;
	s6 =	smul.u32 $0x19000, s8  }
0xa: {  	[smem:$0x7FF] =	sst s2;
	s19 =	sor.u32 $0x30, s3;
	s7 =	smul.u32 $0x19000, s9  }
0xb: {  	s4 =	ssub.s32 $0x2, s24;
	_ =	strace $0x8000004A;
	s10 =	smul.u32 $0x19000, s19  }
0xc: {  	p1 =	seq.s32 s24, $0x0;
	p0 =	seq.s32 s24, $0x1;
	s12 =	smul.u32 $0xC80, s8  }
0xd: {  	p4 =	sne.s32 s24, $0x0;
	s24 =	simm.s32 $0x0;
	s14 =	smul.u32 $0xC80, s9  }
0xe: {  	s5 =	sshrl.u32 s4, $0x1;
	p2 =	slt.u32 s19, $0x32;
	s20 =	smul.u32 $0xC80, s19  }
0xf: {  	p3 =	sgt.u32 s19, $0x31;
	s19 =	simm.s32 $0x16100;
	s4 =	ssub.s32 s4, s5  }
0x10: {  	s5 =	sshrl.u32 s30, $0x2;
	s9 =	sadd.s32 s16, s11;
	p1 =	por !p1, !p2  }
0x11: {  	p2 =	por !p2, !p0;
	s21 =	sadd.s32 s21, s15;
	s22 =	sadd.s32 s23, s22  }
0x12: {  	s23 =	simm.s32 $0x50;
	s4 =	smax.u32 s4, $0x1;
	s5 =	sadd.s32 s5, s1  }
0x13: {  	s6 =	sshrl.u32 s6, $0x2;
	s7 =	sshrl.u32 s7, $0x2;
	s10 =	sshrl.u32 s10, $0x2  }
0x14: {  	s13 =	sadd.s32 s16, s14;
	s14 =	sadd.s32 s17, s14;
	p1 =	por !p1, !p1  }
0x15: {  	s15 =	sadd.s32 s16, s20;
	p2 =	por !p2, !p2;
	s31 =	sshrl.u32 s22, $0x3  }
0x16: {  	s22 =	simm.s32 $0x13900;
	s6 =	sadd.s32 s6, s1;
	s7 =	sadd.s32 s7, s1  }
0x17: {  	s8 =	sadd.s32 s10, s1;
	s10 =	sadd.s32 s17, s11;
	s11 =	sadd.s32 s16, s12  }
0x18: {  	s12 =	sadd.s32 s17, s12;
	s16 =	sadd.s32 s17, s20;
	s17 =	sadd.s32 s25, s21  }
0x19: {  	v0 =	vimm.f32 $0.0e+00;
	s18 =	sadd.s32 s31, s18;
	s20 =	simm.s32 $0x1;
	s21 =	simm.s32 $0x13880  }
.LBB2_1:
0x1a: {  	s25 =	simm.s32 $0x0;
	s26 =	simm.s32 $0x200  }
.LBB2_2:
0x1b: {  	p5 =	sne.s32 s26, $0x18E00;
	[tilespmem:s25+$0x16170] =	vst v0  }
0x1c: {  	[tilespmem:s25+$0x16100] =	vst v0  }
0x1d: {  	[tilespmem:s25+$0x16110] =	vst v0  }
.Ltmp0:
0x1e: {  	[tilespmem:s25+$0x16120] =	vst v0;
	(pc) =	sbr.rel @p5 .LBB2_2-.Ltmp0, $4  }
0x1f: {  	[tilespmem:s25+$0x16130] =	vst v0  }
0x20: {  	[tilespmem:s25+$0x16140] =	vst v0  }
0x21: {  	[tilespmem:s25+$0x16150] =	vst v0  }
0x22: {  	[tilespmem:s25+$0x16160] =	vst v0;
	s25 =	sshra.s32 s26, $0x2;
	s26 =	sadd.s32 $0x200, s26  }
0x23: {  	[tilespmem:s25+$0x16170] =	vst v0  }
0x24: {  	[tilespmem:s25+$0x16100] =	vst v0  }
0x25: {  	[tilespmem:s25+$0x16110] =	vst v0  }
0x26: {  	[tilespmem:s25+$0x16120] =	vst v0  }
0x27: {  	[tilespmem:s25+$0x16130] =	vst v0  }
0x28: {  	[tilespmem:s25+$0x16140] =	vst v0  }
0x29: {  	[tilespmem:s25+$0x16150] =	vst v0  }
0x2a: {  	[tilespmem:s25+$0x16160] =	vst v0  }
0x2b: {  	[spmem:s5] =	stream.linear.scatter [tilespmem:s19], [sflag:$0x1], $0x6400, $0x38;
	[tilespmem:$0x1C500] =	vst v63  }
0x2c: {  	_ =	swait.ge [sflag:s20], $0x6400  }
0x2d: {  	[sflag:s20] =	ssyncset.done $0x0  }
0x2e: {  	[sflag:s20] =	ssyncadd.s32 $0xFFFF9C00  }
0x2f: {  	[spmem:s6] =	stream.linear.scatter [tilespmem:s19], [sflag:$0x1], $0x6400, $0x38;
	[tilespmem:$0x1C500] =	vst v63  }
0x30: {  	_ =	swait.ge [sflag:s20], $0x6400  }
0x31: {  	[sflag:s20] =	ssyncset.done $0x0  }
0x32: {  	[sflag:s20] =	ssyncadd.s32 $0xFFFF9C00  }
0x33: {  	[spmem:s7] =	stream.linear.scatter [tilespmem:s19], [sflag:$0x1], $0x6400, $0x38;
	[tilespmem:$0x1C500] =	vst v63  }
0x34: {  	_ =	swait.ge [sflag:s20], $0x6400  }
0x35: {  	[sflag:s20] =	ssyncset.done $0x0  }
0x36: {  	s25 =	simm.s32 @!p3 $0x16100;
	[sflag:s20] =	ssyncadd.s32 $0xFFFF9C00  }
0x37: {  	[spmem:s8] =	stream.linear.scatter @!p3 [tilespmem:s25], [sflag:$0x1], $0x6400, $0x38;
	[tilespmem:$0x1C500] =	vst v63  }
0x38: {  	s25 =	simm.s32 @!p3 $0x1  }
0x39: {  	_ =	swait.ge @!p3 [sflag:s25], $0x6400  }
0x3a: {  	[sflag:s25] =	ssyncset.done @!p3 $0x0  }
0x3b: {  	[sflag:s25] =	ssyncadd.s32 @!p3 $0xFFFF9C00  }
0x3c: {  	s31 =	sadd.s32 $0x0, s18;
	[bflag:$0x0] =	sbarrier.arrive $0xFFFF  }
0x3d: {  	[tilespmem:s21], [sflag:$0x1] =	stream.linear.gather [hbm4b:s31+s2], $0x50, $0x38;
	[tilespmem:$0x1C500] =	vst v63  }
0x3e: {  	_ =	swait.ge [sflag:s20], $0x50  }
0x3f: {  	[sflag:s20] =	ssyncset.done $0x0  }
0x40: {  	[sflag:s20] =	ssyncadd.s32 $0xFFFFFFB0  }
0x41: {  	[tilespmem:s22], [sflag:$0x1] =	stream.linear.gather [hbm4b:s17+s2], $0x2800, $0x38;
	[tilespmem:$0x1C500] =	vst v63  }
0x42: {  	_ =	swait.ge [sflag:s20], $0x2800  }
0x43: {  	[sflag:s20] =	ssyncset.done $0x0  }
0x44: {  	[sflag:s20] =	ssyncadd.s32 $0xFFFFD800  }
0x45: {  	[spmem:s1] =	stream.indirect.scatter.add.f32 [tilespmem:s22], [sflag:$0x1], $0x80, s21, s23, $0xb8;
	[tilespmem:$0x1C500] =	vst v63  }
0x46: {  	s26 =	simm.s32 $0xA;
	_ =	swait.ge [sflag:s20], $0x2800  }
0x47: {  	s28 =	simm.s32 $0x14;
	s25 =	sadd.s32 $0x500, s17;
	[sflag:s20] =	ssyncset.done $0x0  }
.LBB2_4:
0x48: {  	s29 =	sadd.s32 s26, s18  }
0x49: {  	[sflag:s20] =	ssyncadd.s32 $0xFFFFD800;
	s26 =	smov.u32 s28;
	s30 =	sadd.s32 $0xA, s28  }
0x4a: {  	[tilespmem:s21], [sflag:$0x1] =	stream.linear.gather [hbm4b:s29+s2], $0x50, $0x38;
	[tilespmem:$0x1C500] =	vst v63  }
0x4b: {  	p5 =	sne.s32 s28, $0x4D8;
	_ =	swait.ge [sflag:s20], $0x50  }
0x4c: {  	[sflag:s20] =	ssyncset.done $0x0  }
0x4d: {  	[sflag:s20] =	ssyncadd.s32 $0xFFFFFFB0  }
0x4e: {  	[tilespmem:s22], [sflag:$0x1] =	stream.linear.gather [hbm4b:s25+s2], $0x2800, $0x38;
	[tilespmem:$0x1C500] =	vst v63  }
0x4f: {  	_ =	swait.ge [sflag:s20], $0x2800  }
.Ltmp1:
0x50: {  	[sflag:s20] =	ssyncset.done $0x0;
	(pc) =	sbr.rel @p5 .LBB2_4-.Ltmp1, $4  }
0x51: {  	[sflag:s20] =	ssyncadd.s32 $0xFFFFD800  }
0x52: {  	[spmem:s1] =	stream.indirect.scatter.add.f32 [tilespmem:s22], [sflag:$0x1], $0x80, s21, s23, $0xb8;
	[tilespmem:$0x1C500] =	vst v63  }
0x53: {  	_ =	swait.ge [sflag:s20], $0x2800  }
0x54: {  	s28 =	smov.u32 s30;
	s25 =	sadd.s32 $0x500, s25;
	[sflag:s20] =	ssyncset.done $0x0  }
0x55: {  	s26 =	sadd.s32 s26, s18;
	[sflag:s20] =	ssyncadd.s32 $0xFFFFD800  }
0x56: {  	[tilespmem:s21], [sflag:$0x1] =	stream.linear.gather [hbm4b:s26+s2], $0x50, $0x38;
	[tilespmem:$0x1C500] =	vst v63  }
0x57: {  	_ =	swait.ge [sflag:s20], $0x50  }
0x58: {  	[sflag:s20] =	ssyncset.done $0x0  }
0x59: {  	[sflag:s20] =	ssyncadd.s32 $0xFFFFFFB0  }
0x5a: {  	[tilespmem:s22], [sflag:$0x1] =	stream.linear.gather [hbm4b:s25+s2], $0x2800, $0x38;
	[tilespmem:$0x1C500] =	vst v63  }
0x5b: {  	_ =	swait.ge [sflag:s20], $0x2800  }
0x5c: {  	[sflag:s20] =	ssyncset.done $0x0  }
0x5d: {  	[sflag:s20] =	ssyncadd.s32 $0xFFFFD800  }
0x5e: {  	[spmem:s1] =	stream.indirect.scatter.add.f32 [tilespmem:s22], [sflag:$0x1], $0x80, s21, s23, $0xb8;
	[tilespmem:$0x1C500] =	vst v63  }
0x5f: {  	_ =	swait.ge [sflag:s20], $0x2800  }
0x60: {  	[sflag:s20] =	ssyncset.done $0x0  }
0x61: {  	s25 =	sshll.u32 @!p4 s3, $0x6;
	[sflag:s20] =	ssyncadd.s32 $0xFFFFD800  }
0x62: {  	s26 =	sshrl.u32 @!p4 s5, $0x3;
	s25 =	sor.u32 @!p4 $0x1C02, s25;
	[bflag:$0x0] =	sbarrier.arrive $0xFFFF  }
0x63: {  	[hbm:s9], [sflag:s25] =	dma.local @!p4 [spmem:s26], $0xC80  }
0x64: {  	s26 =	simm.s32 @!p4 $0x2  }
0x65: {  	_ =	swait.ge @!p4 [sflag:s26], $0xC80  }
0x66: {  	s28 =	sshll.u32 @p0 s3, $0x6;
	[sflag:s26] =	ssyncset.done @!p4 $0x0  }
0x67: {  	s29 =	sshrl.u32 @p0 s5, $0x3;
	s28 =	sor.u32 @p0 $0x1C01, s28;
	[sflag:s26] =	ssyncadd.s32 @!p4 $0xFFFFF380  }
0x68: {  	[hbm:s10], [sflag:s28] =	dma.local @p0 [spmem:s29], $0xC80  }
0x69: {  	s29 =	simm.s32 @p0 $0x1  }
0x6a: {  	_ =	swait.ge @p0 [sflag:s29], $0xC80  }
0x6b: {  	[sflag:s29] =	ssyncset.done @p0 $0x0  }
0x6c: {  	s30 =	sshrl.u32 @!p4 s6, $0x3;
	[sflag:s29] =	ssyncadd.s32 @p0 $0xFFFFF380  }
0x6d: {  	[hbm:s11], [sflag:s25] =	dma.local @!p4 [spmem:s30], $0xC80  }
0x6e: {  	_ =	swait.ge @!p4 [sflag:s26], $0xC80  }
0x6f: {  	[sflag:s26] =	ssyncset.done @!p4 $0x0  }
0x70: {  	s30 =	sshrl.u32 @p0 s6, $0x3;
	[sflag:s26] =	ssyncadd.s32 @!p4 $0xFFFFF380  }
0x71: {  	[hbm:s12], [sflag:s28] =	dma.local @p0 [spmem:s30], $0xC80  }
0x72: {  	_ =	swait.ge @p0 [sflag:s29], $0xC80  }
0x73: {  	[sflag:s29] =	ssyncset.done @p0 $0x0  }
0x74: {  	s30 =	sshrl.u32 @!p4 s7, $0x3;
	[sflag:s29] =	ssyncadd.s32 @p0 $0xFFFFF380  }
0x75: {  	[hbm:s13], [sflag:s25] =	dma.local @!p4 [spmem:s30], $0xC80  }
0x76: {  	_ =	swait.ge @!p4 [sflag:s26], $0xC80  }
0x77: {  	[sflag:s26] =	ssyncset.done @!p4 $0x0  }
0x78: {  	s25 =	sshrl.u32 @p0 s7, $0x3;
	[sflag:s26] =	ssyncadd.s32 @!p4 $0xFFFFF380  }
0x79: {  	[hbm:s14], [sflag:s28] =	dma.local @p0 [spmem:s25], $0xC80  }
0x7a: {  	_ =	swait.ge @p0 [sflag:s29], $0xC80  }
0x7b: {  	s25 =	sshll.u32 @p1 s3, $0x6;
	[sflag:s29] =	ssyncset.done @p0 $0x0  }
0x7c: {  	s26 =	sshrl.u32 @p1 s8, $0x3;
	s25 =	sor.u32 @p1 $0x1C02, s25;
	[sflag:s29] =	ssyncadd.s32 @p0 $0xFFFFF380  }
0x7d: {  	[hbm:s15], [sflag:s25] =	dma.local @p1 [spmem:s26], $0xC80  }
0x7e: {  	s25 =	simm.s32 @p1 $0x2  }
0x7f: {  	s24 =	sadd.s32 $0x1, s24;
	_ =	swait.ge @p1 [sflag:s25], $0xC80  }
0x80: {  	p5 =	sne.s32 s24, s4;
	s26 =	sshll.u32 @p2 s3, $0x6;
	[sflag:s25] =	ssyncset.done @p1 $0x0  }
0x81: {  	[sflag:s25] =	ssyncadd.s32 @p1 $0xFFFFF380;
	s25 =	sor.u32 @p2 $0x1C01, s26;
	s26 =	sshrl.u32 @p2 s8, $0x3  }
0x82: {  	[hbm:s16], [sflag:s25] =	dma.local @p2 [spmem:s26], $0xC80  }
.Ltmp2:
0x83: {  	_ = 	snop;
	(pc) =	sbr.rel @p5 .LBB2_1-.Ltmp2, $4  }
0x84: {  	s25 =	simm.s32 @p2 $0x1  }
0x85: {  	_ =	swait.ge @p2 [sflag:s25], $0xC80  }
0x86: {  	[sflag:s25] =	ssyncset.done @p2 $0x0  }
0x87: {  	[sflag:s25] =	ssyncadd.s32 @p2 $0xFFFFF380  }
0x88: {  	_ =	sfence.sel $0x180000  }
0x89: {  	[bflag:$0x0] =	sbarrier.arrive $0xFFFF  }
0x8a: {  	p0 =	sne.s32 s3, $0x0;
	_ =	strace $0x9000004A  }
0x8b: {  	s0 =	sadd.s32 @!p0 $0x100000, s0;
	[bflag:$0x2] =	sbarrier.arrive $0xFFFF  }
0x8c: {  	[sflag:s0] =	ssyncadd.tile.s32 @!p0 $0x1;
	_ =	shalt  }
.Lfunc_end2:
_tile_overlayer_lowered:
.L_overlay_start_2:
0x8d: {  	(tag) =	ssettag $0x2  }
0x8e: {  	s0 =	rddreg [dreg:$0x0];
	s2 =	stileid.u32  }
0x8f: {  	s1 =	rddreg [dreg:$0x1];
	p0 =	sne.s32 s2, $0x0  }
0x90: {  	s3 =	rddreg [dreg:$0x2];
	[bflag:$0x3] =	sbarrier.arrive $0xFFFF;
	s2 =	simm.s32 @!p0 $0x1C01  }
0x91: {  	[timem:s3], [sflag:s2] =	dma.local @!p0 [hbm:s0], s1  }
0x92: {  	s0 =	simm.s32 @!p0 $0x1  }
0x93: {  	_ =	swait.ge @!p0 [sflag:s0], s1  }
0x94: {  	s1 =	ssub.s32 @!p0 $0x0, s1;
	[sflag:s0] =	ssyncset.done @!p0 $0x0  }
0x95: {  	[sflag:s0] =	ssyncadd.s32 @!p0 s1  }
0x96: {  	[bflag:$0x3] =	sbarrier.arrive $0xFFFF  }
0x97: {  	_ =	shalt  }

// kernel: kernel.7.cloned.1.call-start
scs
__scs_entry_jumppad:
0x0: {  	(pc) =	sbr.rel $0x88, $3  }
0x1: {  	(tag) =	ssettag $0x0;
	lr =	simm.s32 $0x1  }
0x2: {  	[smem:$0x3F95] =	sst lr;
	_ =	strace $0xD0000000  }
0x3: {  	_ = 	snop  }
0x4: {  	_ = 	snop  }
0x5: {  	_ = 	snop  }
0x6: {  	_ = 	snop  }
0x7: {  	_ = 	snop  }
__scs_overlays_trampoline_lowered:
0x8: {  	[smem:$0x3FA4] =	sst s0  }
0x9: {  	[smem:$0x3FA5] =	sst s1  }
0xa: {  	[smem:$0x3FA6] =	sst s2  }
0xb: {  	[smem:$0x3FA7] =	sst s3  }
0xc: {  	[smem:$0x3FA8] =	sst s4  }
0xd: {  	[smem:$0x3FA9] =	sst s5  }
0xe: {  	[smem:$0x3FAA] =	sst s6  }
0xf: {  	[smem:$0x3FAB] =	sst s7  }
0x10: {  	[smem:$0x3FAC] =	sst s8  }
0x11: {  	[smem:$0x3FAD] =	sst s9;
	s0 =	simm.s32 @!p0 $0x0  }
0x12: {  	s1 =	sld [smem:$0x3F93];
	s0 =	simm.s32 @p0 $0x1  }
0x13: {  	[smem:$0x3FAE] =	sst s0;
	s0 =	simm.s32 @!p1 $0x0  }
0x14: {  	s2 =	sld [smem:$0x3F92];
	s0 =	simm.s32 @p1 $0x1  }
0x15: {  	[smem:$0x3FAF] =	sst s0;
	s0 =	simm.s32 @!p2 $0x0  }
0x16: {  	s3 =	sld [smem:$0x3FDB];
	s0 =	simm.s32 @p2 $0x1  }
0x17: {  	s4 =	simm.s32 $0x1BF5;
	[smem:$0x3FB1] =	sst s0  }
0x18: {  	s0 =	sld [smem:$0x3F94];
	_ =	swait.ge [sflag:s4], $0x0  }
0x19: {  	s7 =	sld [smem:$0x3F95]  }
0x1a: {  	s8 =	sadd.s32 $0xFFFFE003, lr  }
0x1b: {  	s9 =	sadd.s32 $0xFFFFFEF7, lr;
	s5 =	simm.s32 $0xFFFFFFFF;
	p2 =	slt.u32 s8, $0xFFFFF086  }
0x1c: {  	p1 =	slt.u32 s9, $0xF7A;
	s5 =	simm.s32 @!p2 $0x0  }
0x1d: {  	s5 =	simm.s32 @p1 $0x1;
	p0 =	seq.s32 s7, s2  }
0x1e: {  	s7 =	smul.u32 @!p0 $0xF7A, s2;
	p2 =	seq.s32 @!p0 s5, $0x0  }
0x1f: {  	s9 =	smul.u32 $0xF7A, s1;
	s8 =	simm.s32 @!p0 $0x1BF5;
	p2 =	por !p2, p0  }
0x20: {  	[sflag:s8] =	ssyncset.s32 @!p0 $0xFFFFF086;
	s6 =	sadd.s32 @!p0 s3, s7;
	s7 =	simm.s32 @!p0 $0x108  }
0x21: {  	s3 =	sadd.s32 s3, s9;
	s6 =	sadd.s32 @!p0 $0x88, s6;
	s7 =	simm.s32 @p2 $0x1082  }
0x22: {  	[simem:s7], [sflag:s8] =	dma.local @!p0 [hbm:s6], $0xF7A  }
0x23: {  	s9 =	sor.u32 $0xD0000000, s2;
	s6 =	simm.s32 $0x108;
	_ =	swait.ge @!p0 [sflag:s8], $0x0  }
0x24: {  	s3 =	sadd.s32 $0x88, s3;
	s6 =	simm.s32 @!p1 $0x1082;
	[sflag:s4] =	ssyncset.s32 $0xFFFFF086  }
0x25: {  	[simem:s6], [sflag:s4] =	dma.local [hbm:s3], $0xF7A  }
0x26: {  	[smem:$0x3F95] =	sst s1;
	(tag) =	ssettag s2;
	_ =	strace s9  }
0x27: {  	s1 =	sld [smem:$0x3FA5]  }
0x28: {  	s2 =	sld [smem:$0x3FA6]  }
0x29: {  	s4 =	sld [smem:$0x3FA8]  }
0x2a: {  	p0 =	seq.s32 s5, $0x0;
	s5 =	sld [smem:$0x3FA9]  }
0x2b: {  	s6 =	sld [smem:$0x3FAA]  }
0x2c: {  	s7 =	sld [smem:$0x3FAB]  }
0x2d: {  	s3 =	simm.s32 $0x108;
	s8 =	sld [smem:$0x3FAC]  }
0x2e: {  	s3 =	simm.s32 @!p0 $0x1082;
	s9 =	sld [smem:$0x3FAD]  }
0x2f: {  	lr =	sadd.s32 s0, s3;
	s0 =	sld [smem:$0x3FA4]  }
0x30: {  	s3 =	sld [smem:$0x3FA7]  }
0x31: {  	[smem:$0x3FB0] =	sst s10  }
0x32: {  	s10 =	sld [smem:$0x3FAE];
	_ =	sdelay $0x3  }
0x33: {  	p0 =	seq.s32 s10, $0x1;
	s10 =	sld [smem:$0x3FB0];
	_ =	sdelay $0x3  }
0x34: {  	[smem:$0x3FB0] =	sst s10  }
0x35: {  	s10 =	sld [smem:$0x3FAF];
	_ =	sdelay $0x3  }
0x36: {  	p1 =	seq.s32 s10, $0x1;
	s10 =	sld [smem:$0x3FB0];
	_ =	sdelay $0x3  }
0x37: {  	[smem:$0x3FB0] =	sst s10  }
0x38: {  	s10 =	sld [smem:$0x3FB1]  }
0x39: {  	_ = 	snop;
	(pc) =	sbr.ind lr, $3  }
0x3a: {  	_ = 	snop  }
0x3b: {  	_ = 	snop  }
0x3c: {  	p2 =	seq.s32 s10, $0x1;
	s10 =	sld [smem:$0x3FB0]  }
0x3d: {  	_ =	shalt  }
0x3e: {  	_ =	shalt  }
0x3f: {  	_ =	shalt  }
0x40: {  	_ =	shalt  }
0x41: {  	_ =	shalt  }
0x42: {  	_ =	shalt  }
0x43: {  	_ =	shalt  }
0x44: {  	_ =	shalt  }
0x45: {  	_ =	shalt  }
0x46: {  	_ =	shalt  }
0x47: {  	_ =	shalt  }
0x48: {  	_ =	shalt  }
0x49: {  	_ =	shalt  }
0x4a: {  	_ =	shalt  }
0x4b: {  	_ =	shalt  }
0x4c: {  	_ =	shalt  }
0x4d: {  	_ =	shalt  }
0x4e: {  	_ =	shalt  }
0x4f: {  	_ =	shalt  }
0x50: {  	_ =	shalt  }
0x51: {  	_ =	shalt  }
0x52: {  	_ =	shalt  }
0x53: {  	_ =	shalt  }
0x54: {  	_ =	shalt  }
0x55: {  	_ =	shalt  }
0x56: {  	_ =	shalt  }
0x57: {  	_ =	shalt  }
0x58: {  	_ =	shalt  }
0x59: {  	_ =	shalt  }
0x5a: {  	_ =	shalt  }
0x5b: {  	_ =	shalt  }
0x5c: {  	_ =	shalt  }
0x5d: {  	_ =	shalt  }
0x5e: {  	_ =	shalt  }
0x5f: {  	_ =	shalt  }
0x60: {  	_ =	shalt  }
0x61: {  	_ =	shalt  }
0x62: {  	_ =	shalt  }
0x63: {  	_ =	shalt  }
0x64: {  	_ =	shalt  }
0x65: {  	_ =	shalt  }
0x66: {  	_ =	shalt  }
0x67: {  	_ =	shalt  }
0x68: {  	_ =	shalt  }
0x69: {  	_ =	shalt  }
0x6a: {  	_ =	shalt  }
0x6b: {  	_ =	shalt  }
0x6c: {  	_ =	shalt  }
0x6d: {  	_ =	shalt  }
0x6e: {  	_ =	shalt  }
0x6f: {  	_ =	shalt  }
0x70: {  	_ =	shalt  }
0x71: {  	_ =	shalt  }
0x72: {  	_ =	shalt  }
0x73: {  	_ =	shalt  }
0x74: {  	_ =	shalt  }
0x75: {  	_ =	shalt  }
0x76: {  	_ =	shalt  }
0x77: {  	_ =	shalt  }
0x78: {  	_ =	shalt  }
0x79: {  	_ =	shalt  }
0x7a: {  	_ =	shalt  }
0x7b: {  	_ =	shalt  }
0x7c: {  	_ =	shalt  }
0x7d: {  	_ =	shalt  }
0x7e: {  	_ =	shalt  }
0x7f: {  	_ =	shalt  }
0x80: {  	_ =	shalt  }
0x81: {  	_ =	shalt  }
0x82: {  	_ =	shalt  }
0x83: {  	_ =	shalt  }
0x84: {  	_ =	shalt  }
0x85: {  	_ =	shalt  }
0x86: {  	_ =	shalt  }
0x87: {  	_ =	shalt  }
.Lfunc_end0:
.L_simem_size_0:
called_computation_lowered:
.L_overlay_start_0:
0x88: {  	s2 =	sld [smem:$0x3FD9]  }
0x89: {  	s3 =	sld [smem:$0x3FFE];
	_ =	sdelay $0x1  }
0x8a: {  	s1 =	srdreg.scid  }
0x8b: {  	s0 =	sand.u32 $0x1, s1  }
0x8c: {  	s14 =	sshll.u32 s0, $0xA;
	s2 =	sadd.s32 s3, s2  }
0x8d: {  	s2 =	sadd.s32 s2, s14  }
0x8e: {  	[smem:$0x3FBC] =	sst s2  }
0x8f: {  	_ = 	snop  }
0x90: {  	s2 =	sld [smem:$0x3FD0];
	_ =	sdelay $0x1  }
0x91: {  	s15 =	sld [smem:$0x3FBF]  }
0x92: {  	s5 =	simm.s32 $0xA;
	s6 =	simm.s32 $0x10;
	s4 =	sld [smem:$0x3FBE]  }
0x93: {  	[smem:s6], [sflag:s5] =	dma.local [hbm:s2], $0x1  }
0x94: {  	_ =	swait.eq [sflag:s5], $0x1  }
0x95: {  	[sflag:s5] =	ssyncset.done $0x0  }
0x96: {  	s16 =	sld [smem:$0x10];
	[sflag:s5] =	ssyncadd.s32 $0xFFFFFFFF  }
0x97: {  	s17 =	sld [smem:$0x11];
	(tm) =	ssettm $0x1  }
0x98: {  	s18 =	sld [smem:$0x3FFB];
	_ =	sdelay $0x3  }
0x99: {  	_ =	strace s18  }
0x9a: {  	s6 =	sld [smem:$0x3FFC];
	_ =	sdelay $0x3  }
0x9b: {  	_ =	strace s6  }
0x9c: {  	s6 =	sld [smem:$0x3FFD];
	_ =	sdelay $0x3  }
0x9d: {  	_ =	strace s6  }
0x9e: {  	_ =	strace $0x8FFFFFFF  }
0x9f: {  	s19 =	sld [smem:$0x3FDB];
	_ =	sdelay $0x1  }
0xa0: {  	s7 =	simm.s32 $_scs_section_size  }
0xa1: {  	s8 =	simm.s32 $_size__tile_overlayer_lowered;
	s9 =	simm.s32 $_tile_overlayer_lowered  }
0xa2: {  	s22 =	simm.s32 $0x1BFF;
	s21 =	sshll.u32 s9, $0x1;
	s6 =	sadd.s32 s7, s19  }
0xa3: {  	s10 =	simm.s32 $0x0;
	s20 =	sshll.u32 s8, $0x1;
	s8 =	sadd.s32 s21, s6  }
0xa4: {  	[timem:s10], [sflag:s22] =	dma.local [hbm:s8], s20  }
0xa5: {  	_ =	swait.ge [sflag:s22], s20  }
0xa6: {  	s7 =	ssub.s32 $0x0, s20;
	[sflag:s22] =	ssyncset.done $0x0  }
0xa7: {  	[sflag:s22] =	ssyncadd.s32 s7;
	_ =	sdelay $0x1  }
0xa8: {  	s23 =	simm.s32 $0x1B8B  }
0xa9: {  	_ =	swait.ge [sflag:s23], $0x1  }
0xaa: {  	[sflag:s23] =	ssyncset.done $0x0  }
0xab: {  	s25 =	simm.s32 $0x1B8E;
	s24 =	sld [smem:$0x3FFE];
	[sflag:s23] =	ssyncadd.s32 $0xFFFFFFFF  }
0xac: {  	s26 =	simm.s32 $execute0_lowered;
	[smem:$0x3FD2] =	sst s25  }
0xad: {  	s8 =	sshll.u32 s26, $0x1;
	_ =	strace $0x80000046;
	[dreg:$0x1] =	wrdreg $0xFFFFFFFF  }
0xae: {  	s28 =	simm.s32 $_size_execute0_lowered;
	s6 =	sadd.s32 s6, s8;
	[dreg:$0x0] =	wrdreg $0x0  }
0xaf: {  	s8 =	sshll.u32 s28, $0x1;
	[dreg:$0x2] =	wrdreg s6  }
0xb0: {  	[dreg:$0x3] =	wrdreg s8  }
0xb1: {  	[dreg:$0x4] =	wrdreg $0xC0  }
0xb2: {  	_ =	task [dreg:s10], $0x5FFFF  }
0xb3: {  	[dreg:$0x1] =	wrdreg $0xFFFFFFFF  }
0xb4: {  	[dreg:$0x0] =	wrdreg $0x60  }
0xb5: {  	[dreg:$0x2] =	wrdreg s16  }
0xb6: {  	[dreg:$0x3] =	wrdreg s17  }
0xb7: {  	[dreg:$0x4] =	wrdreg s15  }
0xb8: {  	[dreg:$0x5] =	wrdreg s4  }
0xb9: {  	[dreg:$0x6] =	wrdreg s24  }
0xba: {  	[dreg:$0x7] =	wrdreg $0x9  }
0xbb: {  	_ =	task.clear_ibuf [dreg:s10], $0x8FFFF;
	_ =	strace $0x90000046  }
0xbc: {  	s29 =	simm.s32 $0x9;
	_ =	strace $0x80000048  }
0xbd: {  	_ =	swait.ge [sflag:s29], $0x1  }
0xbe: {  	[sflag:s29] =	ssyncadd.s32 $0xFFFFFFFF  }
0xbf: {  	_ =	strace $0x90000048  }
0xc0: {  	_ =	sfence  }
0xc1: {  	s30 =	sld [smem:$0x0];
	_ =	sdelay $0x2  }
0xc2: {  	s31 =	sshll.u32 s1, $0xD;
	s1 =	sshrl.u32 s1, $0x2  }
0xc3: {  	s3 =	sand.u32 $0x4000, s31;
	s1 =	sadd.s32 s1, s30  }
0xc4: {  	s0 =	sor.u32 s3, s0;
	s1 =	sshll.u32 s1, $0x11  }
0xc5: {  	s0 =	sor.u32 s1, s0  }
0xc6: {  	s0 =	sadd.s32 $0x8F2B, s0  }
0xc7: {  	[sflag:s0] =	ssyncadd.remote.s32 $0x1  }
0xc8: {  	_ =	sfence.sel $0xFFFF  }
0xc9: {  	[dreg:$0x0] =	wrdreg $0xFFFFFFFF;
	(pc) =	sbr.abs _section_cstart, $3  }
0xca: {  	[dreg:$0x1] =	wrdreg $0xFFFFFFFF  }
0xcb: {  	_ =	task.clear_ibuf [dreg:s10], $0x2FFFF;
	_ =	strace $0x9FFFFFFF  }
0xcc: {  	(tm) =	ssettm $0x7FFFFFFF  }
0xcd: {  	_ =	shalt  }
tec
execute0_lowered:
.L_overlay_start_1:
0x0: {  	(tag) =	ssettag $0x1  }
0x1: {  	s1 =	rddreg [dreg:$0x0]  }
0x2: {  	s2 =	rddreg [dreg:$0x1]  }
0x3: {  	s3 =	rddreg [dreg:$0x2]  }
0x4: {  	s4 =	rddreg [dreg:$0x3]  }
0x5: {  	s7 =	rddreg [dreg:$0x4]  }
0x6: {  	s0 =	rddreg [dreg:$0x5];
	s8 =	srdreg.scid  }
0x7: {  	s6 =	simm.s32 $0x0;
	s5 =	stileid.u32;
	s12 =	simm.s32 $0x50  }
0x8: {  	s13 =	simm.s32 $0x100;
	s14 =	simm.s32 $0x2900;
	s15 =	simm.s32 $0x1  }
0x9: {  	s16 =	simm.s32 $0x2;
	s17 =	simm.s32 $0x0;
	s8 =	sand.u32 $0x1, s8  }
0xa: {  	[smem:$0x7FF] =	sst s6;
	s10 =	sshll.u32 s5, $0x1;
	s9 =	ssub.s32 $0x2, s8  }
0xb: {  	s7 =	sadd.s32 $0x3600, s7;
	_ =	strace $0x80000047;
	s11 =	sshrl.u32 s9, $0x1  }
0xc: {  	s8 =	sor.u32 s8, s10;
	s10 =	simm.s32 $0x3;
	s9 =	ssub.s32 s9, s11  }
0xd: {  	s8 =	smul.u32 $0x2710, s8;
	s11 =	simm.s32 $0x80;
	s9 =	smax.u32 s9, $0x1  }
.LBB2_1:
0xe: {  	s18 =	simm.s32 $0x0  }
.LBB2_2:
0xf: {  	s19 =	smul.u32 $0x50, s18;
	_ =	sdelay $0x1  }
0x10: {  	s19 =	sadd.s32 s8, s19  }
0x11: {  	s20 =	sshrl.u32 s19, $0x3  }
0x12: {  	s22 =	simm.s32 $0x0;
	s21 =	sadd.s32 s3, s20  }
0x13: {  	[tilespmem:s22], [sflag:$0x3] =	stream.linear.gather [hbm4b:s21+s22], $0x50, $0x38;
	[tilespmem:$0x5100] =	vst v63  }
0x14: {  	_ =	swait.ge [sflag:s10], $0x50  }
0x15: {  	[sflag:s10] =	ssyncset.done $0x0  }
0x16: {  	s20 =	sadd.s32 s4, s20;
	[sflag:s10] =	ssyncadd.s32 $0xFFFFFFB0  }
0x17: {  	[tilespmem:s11], [sflag:$0x3] =	stream.linear.gather [hbm4b:s20+s22], $0x50, $0x38;
	[tilespmem:$0x5100] =	vst v63  }
0x18: {  	_ =	swait.ge [sflag:s10], $0x50  }
0x19: {  	[sflag:s10] =	ssyncset.done $0x0  }
0x1a: {  	[sflag:s10] =	ssyncadd.s32 $0xFFFFFFB0  }
0x1b: {  	[tilespmem:s13], [sflag:$0x1] =	stream.indirect.gather [hbm4b:s1+s12], $0x80, s22, s12, $0xb8;
	[tilespmem:$0x5100] =	vst v63  }
0x1c: {  	_ = 	snop  }
0x1d: {  	[tilespmem:s14], [sflag:$0x2] =	stream.indirect.gather [hbm4b:s2+s12], $0x80, s11, s12, $0xb8;
	[tilespmem:$0x5100] =	vst v63  }
0x1e: {  	_ =	swait.ge [sflag:s15], $0x2800  }
0x1f: {  	[sflag:s15] =	ssyncset.done $0x0  }
0x20: {  	[sflag:s15] =	ssyncadd.s32 $0xFFFFD800  }
0x21: {  	_ =	swait.ge [sflag:s16], $0x2800  }
0x22: {  	[sflag:s16] =	ssyncset.done $0x0  }
0x23: {  	s20 =	simm.s32 $0x0;
	[sflag:s16] =	ssyncadd.s32 $0xFFFFD800  }
0x24: {  	v7 =	vld [tilespmem:s20+$0x2900]  }
0x25: {  	v11 =	vld [tilespmem:s20+$0x2910]  }
0x26: {  	v5 =	vld [tilespmem:s20+$0x2920]  }
0x27: {  	v4 =	vld [tilespmem:s20+$0x2930]  }
0x28: {  	v3 =	vld [tilespmem:s20+$0x2940]  }
0x29: {  	v2 =	vld [tilespmem:s20+$0x2950]  }
0x2a: {  	v1 =	vld [tilespmem:s20+$0x2960]  }
0x2b: {  	v0 =	vld [tilespmem:s20+$0x2970]  }
0x2c: {  	v12 =	vld [tilespmem:s20+$0x100]  }
0x2d: {  	v13 =	vld [tilespmem:s20+$0x110]  }
0x2e: {  	v10 =	vld [tilespmem:s20+$0x120]  }
0x2f: {  	v9 =	vld [tilespmem:s20+$0x130]  }
0x30: {  	v8 =	vld [tilespmem:s20+$0x140]  }
0x31: {  	v6 =	vld [tilespmem:s20+$0x150];
	v12 =	vadd.f32 v7, v12  }
0x32: {  	s21 =	simm.s32 $0x200;
	v11 =	vadd.f32 v11, v13;
	v7 =	vld [tilespmem:s20+$0x160]  }
.LBB2_3:
0x33: {  	s22 =	sshra.s32 s21, $0x2;
	p0 =	sne.s32 s21, $0x9E00;
	[tilespmem:s20+$0x100] =	vst v12;
	v5 =	vadd.f32 v5, v10;
	v10 =	vld [tilespmem:s20+$0x170]  }
0x34: {  	v12 =	vld [tilespmem:s22+$0x2900];
	[tilespmem:s20+$0x110] =	vst v11;
	v4 =	vadd.f32 v4, v9  }
0x35: {  	v11 =	vld [tilespmem:s22+$0x2910];
	[tilespmem:s20+$0x120] =	vst v5;
	v3 =	vadd.f32 v3, v8  }
0x36: {  	v5 =	vld [tilespmem:s22+$0x2920];
	[tilespmem:s20+$0x130] =	vst v4;
	v2 =	vadd.f32 v2, v6  }
0x37: {  	v4 =	vld [tilespmem:s22+$0x2930];
	[tilespmem:s20+$0x140] =	vst v3;
	v1 =	vadd.f32 v1, v7  }
0x38: {  	v3 =	vld [tilespmem:s22+$0x2940];
	[tilespmem:s20+$0x150] =	vst v2;
	v0 =	vadd.f32 v0, v10  }
0x39: {  	v2 =	vld [tilespmem:s22+$0x2950];
	[tilespmem:s20+$0x160] =	vst v1  }
0x3a: {  	v1 =	vld [tilespmem:s22+$0x2960];
	[tilespmem:s20+$0x170] =	vst v0;
	s20 =	smov.u32 s22  }
0x3b: {  	v0 =	vld [tilespmem:s20+$0x2970]  }
0x3c: {  	v6 =	vld [tilespmem:s20+$0x100]  }
0x3d: {  	v7 =	vld [tilespmem:s20+$0x110]  }
.Ltmp0:
0x3e: {  	v10 =	vld [tilespmem:s20+$0x120];
	(pc) =	sbr.rel @p0 .LBB2_3-.Ltmp0, $4  }
0x3f: {  	v9 =	vld [tilespmem:s20+$0x130]  }
0x40: {  	v8 =	vld [tilespmem:s20+$0x140]  }
0x41: {  	v12 =	vadd.f32 v12, v6;
	v6 =	vld [tilespmem:s20+$0x150]  }
0x42: {  	s21 =	sadd.s32 $0x200, s21;
	v11 =	vadd.f32 v11, v7;
	v7 =	vld [tilespmem:s20+$0x160]  }
0x43: {  	[tilespmem:s20+$0x100] =	vst v12;
	v5 =	vadd.f32 v5, v10;
	v63 =	vld [tilespmem:s20+$0x170]  }
0x44: {  	[tilespmem:s20+$0x110] =	vst v11;
	v4 =	vadd.f32 v4, v9  }
0x45: {  	[tilespmem:s20+$0x120] =	vst v5;
	v3 =	vadd.f32 v3, v8  }
0x46: {  	[tilespmem:s20+$0x130] =	vst v4;
	v2 =	vadd.f32 v2, v6  }
0x47: {  	[tilespmem:s20+$0x140] =	vst v3;
	v1 =	vadd.f32 v1, v7  }
0x48: {  	s18 =	sadd.s32 $0x1, s18;
	[tilespmem:s20+$0x150] =	vst v2;
	v0 =	vadd.f32 v0, v63  }
0x49: {  	s19 =	sshll.u32 s19, $0x4;
	p0 =	sne.s32 s18, $0x7D;
	[tilespmem:s20+$0x160] =	vst v1  }
.Ltmp1:
0x4a: {  	s19 =	sadd.s32 s7, s19;
	[tilespmem:s20+$0x170] =	vst v0;
	(pc) =	sbr.rel @p0 .LBB2_2-.Ltmp1, $4  }
0x4b: {  	[hbm4b:s19+s6] =	stream.linear.scatter [tilespmem:s13], [sflag:$0x3], $0x2800, $0x38;
	[tilespmem:$0x5100] =	vst v63  }
0x4c: {  	_ =	swait.ge [sflag:s10], $0x2800  }
0x4d: {  	[sflag:s10] =	ssyncset.done $0x0  }
0x4e: {  	[sflag:s10] =	ssyncadd.s32 $0xFFFFD800  }
0x4f: {  	s17 =	sadd.s32 $0x1, s17  }
0x50: {  	p0 =	sne.s32 s17, s9  }
.Ltmp2:
0x51: {  	_ = 	snop;
	(pc) =	sbr.rel @p0 .LBB2_1-.Ltmp2, $1  }
0x52: {  	_ =	sdelay $0x3  }
0x53: {  	_ =	sfence.sel $0x180000  }
0x54: {  	[bflag:$0x0] =	sbarrier.arrive $0xFFFF  }
0x55: {  	p0 =	sne.s32 s5, $0x0;
	_ =	strace $0x90000047  }
0x56: {  	s0 =	sadd.s32 @!p0 $0x100000, s0;
	[bflag:$0x2] =	sbarrier.arrive $0xFFFF  }
0x57: {  	[sflag:s0] =	ssyncadd.tile.s32 @!p0 $0x1;
	_ =	shalt  }
.Lfunc_end2:
_tile_overlayer_lowered:
.L_overlay_start_2:
0x58: {  	(tag) =	ssettag $0x2  }
0x59: {  	s0 =	rddreg [dreg:$0x0];
	s2 =	stileid.u32  }
0x5a: {  	s1 =	rddreg [dreg:$0x1];
	p0 =	sne.s32 s2, $0x0  }
0x5b: {  	s3 =	rddreg [dreg:$0x2];
	[bflag:$0x3] =	sbarrier.arrive $0xFFFF;
	s2 =	simm.s32 @!p0 $0x1C03  }
0x5c: {  	[timem:s3], [sflag:s2] =	dma.local @!p0 [hbm:s0], s1  }
0x5d: {  	s0 =	simm.s32 @!p0 $0x3  }
0x5e: {  	_ =	swait.ge @!p0 [sflag:s0], s1  }
0x5f: {  	s1 =	ssub.s32 @!p0 $0x0, s1;
	[sflag:s0] =	ssyncset.done @!p0 $0x0  }
0x60: {  	[sflag:s0] =	ssyncadd.s32 @!p0 s1  }
0x61: {  	[bflag:$0x3] =	sbarrier.arrive $0xFFFF  }
0x62: {  	_ =	shalt  }

</sc_bundles>
